<compile_context>
chip_gen: v7x
topology: tpu7x:2x2x1
jax: 0.10.2.dev20260603
libtpu: 0.0.44.dev20260713+nightly
codegen_flags: <defaults>
</compile_context>

<pallas_src>
import functools

import jax
import jax.numpy as jnp
from jax import lax
from jax.experimental import pallas as pl
from jax.experimental.pallas import tpu as pltpu
from jax.experimental.pallas import tpu_sc as plsc

N = 10000
E = 320000
H = 128

NC = 2
NS = 16
NW = NC * NS

K = 40
EPW = E // NW
NCHUNK = EPW // K

ACC_ROWS = 10240
ZERO_ROWS_PER_SUB = ACC_ROWS // NS

R_BLK = 1000
NB = N // R_BLK


NBUF = 5


def _sc_agg_body(x_hbm, src_hbm, dst_hbm, zeros_hbm, out_hbm,
                 src_v, dst_v, rows_v, gsem, ssem, acc_sh):
    c = lax.axis_index("c")
    s = lax.axis_index("s")
    wid = s * NC + c

    pltpu.sync_copy(
        zeros_hbm.at[pl.ds(s * ZERO_ROWS_PER_SUB, ZERO_ROWS_PER_SUB)],
        acc_sh.at[pl.ds(s * ZERO_ROWS_PER_SUB, ZERO_ROWS_PER_SUB)])

    pltpu.sync_copy(src_hbm.at[pl.ds(wid * EPW, EPW)], src_v)
    pltpu.sync_copy(dst_hbm.at[pl.ds(wid * EPW, EPW)], dst_v)

    plsc.subcore_barrier()

    for b in range(NBUF - 1):
        pltpu.async_copy(
            x_hbm.at[src_v.at[pl.ds(b * K, K)]], rows_v.at[b], gsem.at[b])

    def chunk(j, carry):
        b = lax.rem(j, NBUF)
        bn = lax.rem(j + NBUF - 1, NBUF)
        jn = j + NBUF - 1

        @pl.when(jn < NCHUNK)
        def _fire_next_gather():
            @pl.when(j >= 1)
            def _wait_prev_scatter():
                pltpu.make_async_copy(
                    rows_v.at[bn], acc_sh.at[dst_v.at[pl.ds((j - 1) * K, K)]],
                    ssem.at[bn]).wait()

            pltpu.async_copy(
                x_hbm.at[src_v.at[pl.ds(jn * K, K)]], rows_v.at[bn],
                gsem.at[bn])

        pltpu.make_async_copy(
            x_hbm.at[src_v.at[pl.ds(j * K, K)]], rows_v.at[b],
            gsem.at[b]).wait()
        pltpu.async_copy(
            rows_v.at[b], acc_sh.at[dst_v.at[pl.ds(j * K, K)]],
            ssem.at[b], add=True)

        return carry

    lax.fori_loop(0, NCHUNK, chunk, 0, unroll=False)

    for t in range(NBUF):
        j = NCHUNK - NBUF + t
        bl = j % NBUF
        pltpu.make_async_copy(
            rows_v.at[bl], acc_sh.at[dst_v.at[pl.ds(j * K, K)]],
            ssem.at[bl]).wait()

    plsc.subcore_barrier()

    pltpu.sync_copy(
        acc_sh.at[pl.ds(s * ZERO_ROWS_PER_SUB, ZERO_ROWS_PER_SUB)],
        out_hbm.at[c, pl.ds(s * ZERO_ROWS_PER_SUB, ZERO_ROWS_PER_SUB)])


@functools.lru_cache(maxsize=1)
def _make_sc_agg():
    return functools.partial(
        pl.kernel,
        out_type=jax.ShapeDtypeStruct((NC, ACC_ROWS, H), jnp.float32),
        mesh=plsc.VectorSubcoreMesh(
            core_axis_name="c", subcore_axis_name="s",
            num_cores=NC, num_subcores=NS),
        scratch_types=[
            pltpu.VMEM((EPW,), jnp.int32),
            pltpu.VMEM((EPW,), jnp.int32),
            pltpu.VMEM((NBUF, K, H), jnp.float32),
            pltpu.SemaphoreType.DMA((NBUF,)),
            pltpu.SemaphoreType.DMA((NBUF,)),
            pltpu.VMEM_SHARED((ACC_ROWS, H), jnp.float32),
        ],
    )(_sc_agg_body)


def _sc_agg(x, src, dst, zeros):
    return _make_sc_agg()(x, src, dst, zeros)


def _mlp_body(x_ref, p_ref, w1_ref, b1_ref, w2_ref, b2_ref,
              h2_ref, stats_ref):
    h = x_ref[...] + p_ref[0] + p_ref[1]
    h = jnp.dot(h, w1_ref[...], preferred_element_type=jnp.float32)
    h = jnp.maximum(h + b1_ref[...], 0.0)
    h2 = jnp.dot(h, w2_ref[...], preferred_element_type=jnp.float32)
    h2 = h2 + b2_ref[...]
    h2_ref[...] = h2

    @pl.when(pl.program_id(0) == 0)
    def _init():
        stats_ref[...] = jnp.zeros_like(stats_ref)

    stats_ref[0, :] += jnp.sum(h2, axis=0)
    stats_ref[1, :] += jnp.sum(h2 * h2, axis=0)


def _norm_body(h2_ref, stats_ref, gamma_ref, beta_ref, out_ref):
    mean = stats_ref[0, :] / N
    var = stats_ref[1, :] / N - mean * mean
    scale = lax.rsqrt(var + 1e-5) * gamma_ref[...]
    out_ref[...] = (h2_ref[...] - mean) * scale + beta_ref[...]


def kernel(x, edge_index, W1, b1, W2, b2, gamma, beta):
    src = edge_index[0]
    dst = edge_index[1]
    zeros = jnp.zeros((ACC_ROWS, H), jnp.float32)

    parts = _sc_agg(x, src, dst, zeros)

    h2, stats = pl.pallas_call(
        _mlp_body,
        grid=(NB,),
        in_specs=[
            pl.BlockSpec((R_BLK, H), lambda i: (i, 0)),
            pl.BlockSpec((2, R_BLK, H), lambda i: (0, i, 0)),
            pl.BlockSpec((H, H), lambda i: (0, 0)),
            pl.BlockSpec((H,), lambda i: (0,)),
            pl.BlockSpec((H, H), lambda i: (0, 0)),
            pl.BlockSpec((H,), lambda i: (0,)),
        ],
        out_specs=[
            pl.BlockSpec((R_BLK, H), lambda i: (i, 0)),
            pl.BlockSpec((8, H), lambda i: (0, 0)),
        ],
        out_shape=[
            jax.ShapeDtypeStruct((N, H), jnp.float32),
            jax.ShapeDtypeStruct((8, H), jnp.float32),
        ],
    )(x, parts, W1, b1, W2, b2)

    out = pl.pallas_call(
        _norm_body,
        grid=(NB,),
        in_specs=[
            pl.BlockSpec((R_BLK, H), lambda i: (i, 0)),
            pl.BlockSpec((8, H), lambda i: (0, 0)),
            pl.BlockSpec((H,), lambda i: (0,)),
            pl.BlockSpec((H,), lambda i: (0,)),
        ],
        out_specs=pl.BlockSpec((R_BLK, H), lambda i: (i, 0)),
        out_shape=jax.ShapeDtypeStruct((N, H), jnp.float32),
    )(h2, stats, gamma, beta)

    return out

# --- scband reference (transcript-rebuilt; emitter-appended) ---
"""Pipeline reference for scband-gin-triplet-unit-21114059227217 (READ-ONLY COPY).

The authoritative reference and input builder live on the scoring server;
editing this copy changes nothing except your own understanding.
"""

import jax, jax.numpy as jnp
import numpy as np

N = 10000
E = 320000
H = 128


def setup_inputs(seed: int = 0) -> dict:
    key = jax.random.key(seed)
    k1, k2, k3, k4 = jax.random.split(key, 4)
    x = jax.random.normal(k1, (N, H), dtype=jnp.float32)
    edge_index = jax.random.randint(k2, (2, E), 0, N, dtype=jnp.int32)
    lim1 = 1.0 / np.sqrt(H)
    W1 = jax.random.uniform(k3, (H, H), minval=-lim1, maxval=lim1, dtype=jnp.float32)
    b1 = jnp.zeros((H,), dtype=jnp.float32)
    W2 = jax.random.uniform(k4, (H, H), minval=-lim1, maxval=lim1, dtype=jnp.float32)
    b2 = jnp.zeros((H,), dtype=jnp.float32)
    gamma = jnp.ones((H,), dtype=jnp.float32)
    beta = jnp.zeros((H,), dtype=jnp.float32)
    return {"x": x, "edge_index": edge_index, "W1": W1, "b1": b1, "W2": W2, "b2": b2, "gamma": gamma, "beta": beta}


def reference(x, edge_index, W1, b1, W2, b2, gamma, beta):
    # Note: the original forward computes relu(hidden) into `out` but then
    # overwrites it with conv(hidden, edge_index); so conv consumes raw `hidden`.
    src = edge_index[0]
    dst = edge_index[1]
    # GINConv (eps=0): h_i = MLP((1+eps)*x_i + sum_{j in N(i)} x_j)
    msgs = jnp.take(x, src, axis=0)
    agg = jnp.zeros_like(x).at[dst].add(msgs)
    h = x + agg
    h = h @ W1 + b1
    h = jax.nn.relu(h)
    h = h @ W2 + b2
    # BatchNorm1d with batch statistics (fresh module), affine gamma/beta
    mean = jnp.mean(h, axis=0)
    var = jnp.var(h, axis=0)
    out = (h - mean) / jnp.sqrt(var + 1e-5) * gamma + beta
    # add_activation defaults to False; dropout is identity in eval mode
    return out

if __name__ == "__main__":
    import jax
    _d = setup_inputs()
    print(jax.jit(kernel)(*tuple(_d.values())))

</pallas_src>

<mosaic_0001>
#map = affine_map<(d0, d1) -> (0, 0)>
#map1 = affine_map<(d0, d1) -> (0)>
#map2 = affine_map<(d0, d1) -> (0, 0, 0)>
module attributes {stable_mosaic.version = 14 : i64} {
  func.func @_sc_agg_body(%arg0: i32, %arg1: i32, %arg2: memref<10000x128xf32, #tpu.memory_space<hbm>>, %arg3: memref<320000xi32, #tpu.memory_space<hbm>>, %arg4: memref<320000xi32, #tpu.memory_space<hbm>>, %arg5: memref<10240x128xf32, #tpu.memory_space<hbm>>, %arg6: memref<2x10240x128xf32, #tpu.memory_space<hbm>>, %arg7: memref<10000xi32, #tpu.memory_space<vmem>>, %arg8: memref<10000xi32, #tpu.memory_space<vmem>>, %arg9: memref<5x40x128xf32, #tpu.memory_space<vmem>>, %arg10: memref<5x!tpu.dma_semaphore, #tpu.memory_space<semaphore_mem>>, %arg11: memref<5x!tpu.dma_semaphore, #tpu.memory_space<semaphore_mem>>, %arg12: memref<10240x128xf32, #tpu.memory_space<vmem_shared>>) attributes {dimension_semantics = [#tpu.dimension_semantics<core_parallel>, #tpu.dimension_semantics<subcore_parallel>], iteration_bounds = array<i64: 2, 16>, scalar_prefetch = 0 : i64, scratch_operands = 6 : i64, tpu.core_type = #tpu.core_type<sc_vector_subcore>, window_params = [{transform_indices = #map}, {transform_indices = #map1}, {transform_indices = #map1}, {transform_indices = #map}, {transform_indices = #map2}]} {
    %mul3A = arith.constant 2 : i32
    %mul3A_0 = arith.muli %arg1, %mul3A : i32
    %add3A = arith.addi %mul3A_0, %arg0 : i32
    %mul3A_1 = arith.constant 640 : i32
    %mul3A_2 = arith.muli %arg1, %mul3A_1 : i32
    %mul3A_3 = arith.constant 640 : i32
    %mul3A_4 = arith.muli %arg1, %mul3A_3 : i32
    "tpu.region"() ({
      %run_scoped3A = tpu.sem_alloc : memref<!tpu.dma_semaphore, #tpu.memory_space<semaphore_mem>>
      %dma_start3A_134 = arith.constant 0 : i32
      %dma_start3A_135 = tpu.memref_slice %arg12[%mul3A_4, %dma_start3A_134] : memref<10240x128xf32, #tpu.memory_space<vmem_shared>> -> memref<640x128xf32, #tpu.memory_space<vmem_shared>>
      %dma_start3A_136 = arith.constant 0 : i32
      %dma_start3A_137 = tpu.memref_slice %arg5[%mul3A_2, %dma_start3A_136] : memref<10240x128xf32, #tpu.memory_space<hbm>> -> memref<640x128xf32, #tpu.memory_space<hbm>>
      tpu.enqueue_dma source(%dma_start3A_137 : memref<640x128xf32, #tpu.memory_space<hbm>>) target(%dma_start3A_135 : memref<640x128xf32, #tpu.memory_space<vmem_shared>>) target_semaphore(%run_scoped3A : memref<!tpu.dma_semaphore, #tpu.memory_space<semaphore_mem>>)
      %dma_wait3A_138 = arith.constant 0 : i32
      %dma_wait3A_139 = tpu.memref_slice %arg12[%mul3A_4, %dma_wait3A_138] : memref<10240x128xf32, #tpu.memory_space<vmem_shared>> -> memref<640x128xf32, #tpu.memory_space<vmem_shared>>
      %dma_wait3A_140 = arith.constant 0 : i32
      %dma_wait3A_141 = tpu.memref_slice %arg5[%mul3A_2, %dma_wait3A_140] : memref<10240x128xf32, #tpu.memory_space<hbm>> -> memref<640x128xf32, #tpu.memory_space<hbm>>
      tpu.wait_dma2 semaphore(%run_scoped3A : memref<!tpu.dma_semaphore, #tpu.memory_space<semaphore_mem>>) src(%dma_wait3A_141 : memref<640x128xf32, #tpu.memory_space<hbm>>) dst(%dma_wait3A_139 : memref<640x128xf32, #tpu.memory_space<vmem_shared>>)
      tpu.yield
    }) : () -> ()
    %mul3A_5 = arith.constant 10000 : i32
    %mul3A_6 = arith.muli %add3A, %mul3A_5 : i32
    "tpu.region"() ({
      %run_scoped3A = tpu.sem_alloc : memref<!tpu.dma_semaphore, #tpu.memory_space<semaphore_mem>>
      %dma_start3A_134 = tpu.memref_slice %arg3[%mul3A_6] : memref<320000xi32, #tpu.memory_space<hbm>> -> memref<10000xi32, #tpu.memory_space<hbm>>
      %dma_start3A_135 = tpu.memref_slice %arg3[%mul3A_6] : memref<320000xi32, #tpu.memory_space<hbm>> -> memref<10000xi32, #tpu.memory_space<hbm>>
      tpu.enqueue_dma source(%dma_start3A_135 : memref<10000xi32, #tpu.memory_space<hbm>>) target(%arg7 : memref<10000xi32, #tpu.memory_space<vmem>>) target_semaphore(%run_scoped3A : memref<!tpu.dma_semaphore, #tpu.memory_space<semaphore_mem>>)
      %dma_wait3A_136 = tpu.memref_slice %arg3[%mul3A_6] : memref<320000xi32, #tpu.memory_space<hbm>> -> memref<10000xi32, #tpu.memory_space<hbm>>
      %dma_wait3A_137 = tpu.memref_slice %arg3[%mul3A_6] : memref<320000xi32, #tpu.memory_space<hbm>> -> memref<10000xi32, #tpu.memory_space<hbm>>
      tpu.wait_dma2 semaphore(%run_scoped3A : memref<!tpu.dma_semaphore, #tpu.memory_space<semaphore_mem>>) src(%dma_wait3A_137 : memref<10000xi32, #tpu.memory_space<hbm>>) dst(%arg7 : memref<10000xi32, #tpu.memory_space<vmem>>)
      tpu.yield
    }) : () -> ()
    %mul3A_7 = arith.constant 10000 : i32
    %mul3A_8 = arith.muli %add3A, %mul3A_7 : i32
    "tpu.region"() ({
      %run_scoped3A = tpu.sem_alloc : memref<!tpu.dma_semaphore, #tpu.memory_space<semaphore_mem>>
      %dma_start3A_134 = tpu.memref_slice %arg4[%mul3A_8] : memref<320000xi32, #tpu.memory_space<hbm>> -> memref<10000xi32, #tpu.memory_space<hbm>>
      %dma_start3A_135 = tpu.memref_slice %arg4[%mul3A_8] : memref<320000xi32, #tpu.memory_space<hbm>> -> memref<10000xi32, #tpu.memory_space<hbm>>
      tpu.enqueue_dma source(%dma_start3A_135 : memref<10000xi32, #tpu.memory_space<hbm>>) target(%arg8 : memref<10000xi32, #tpu.memory_space<vmem>>) target_semaphore(%run_scoped3A : memref<!tpu.dma_semaphore, #tpu.memory_space<semaphore_mem>>)
      %dma_wait3A_136 = tpu.memref_slice %arg4[%mul3A_8] : memref<320000xi32, #tpu.memory_space<hbm>> -> memref<10000xi32, #tpu.memory_space<hbm>>
      %dma_wait3A_137 = tpu.memref_slice %arg4[%mul3A_8] : memref<320000xi32, #tpu.memory_space<hbm>> -> memref<10000xi32, #tpu.memory_space<hbm>>
      tpu.wait_dma2 semaphore(%run_scoped3A : memref<!tpu.dma_semaphore, #tpu.memory_space<semaphore_mem>>) src(%dma_wait3A_137 : memref<10000xi32, #tpu.memory_space<hbm>>) dst(%arg8 : memref<10000xi32, #tpu.memory_space<vmem>>)
      tpu.yield
    }) : () -> ()
    %barrier3A = arith.constant 0 : index
    tpu.barrier barrier_id(%barrier3A)
    %dma_start3A = arith.constant 0 : i32
    %dma_start3A_9 = arith.constant 0 : i32
    %dma_start3A_10 = arith.constant 0 : i32
    %dma_start3A_11 = arith.constant 0 : i32
    %dma_start3A_12 = tpu.memref_slice %arg9[%dma_start3A, %dma_start3A_10, %dma_start3A_11] : memref<5x40x128xf32, #tpu.memory_space<vmem>> -> memref<1x40x128xf32, #tpu.memory_space<vmem>>
    %dma_start3A_13 = tpu.memref_squeeze %dma_start3A_12 : memref<1x40x128xf32, #tpu.memory_space<vmem>> -> memref<40x128xf32, #tpu.memory_space<vmem>>
    %dma_start3A_14 = arith.constant 0 : i32
    %dma_start3A_15 = tpu.memref_slice %arg7[%dma_start3A_14] : memref<10000xi32, #tpu.memory_space<vmem>> -> memref<40xi32, #tpu.memory_space<vmem>>
    %dma_start3A_16 = arith.constant 0 : i32
    %dma_start3A_17 = arith.constant 0 : i32
    %dma_start3A_18 = tpu.memref_slice %arg2[%dma_start3A_16, %dma_start3A_17] : memref<10000x128xf32, #tpu.memory_space<hbm>> -> memref<10000x128xf32, #tpu.memory_space<hbm>>
    %dma_start3A_19 = tpu.memref_slice %arg10[%dma_start3A_9] : memref<5x!tpu.dma_semaphore, #tpu.memory_space<semaphore_mem>> -> memref<1x!tpu.dma_semaphore, #tpu.memory_space<semaphore_mem>>
    %dma_start3A_20 = tpu.memref_squeeze %dma_start3A_19 : memref<1x!tpu.dma_semaphore, #tpu.memory_space<semaphore_mem>> -> memref<!tpu.dma_semaphore, #tpu.memory_space<semaphore_mem>>
    tpu.enqueue_indirect_dma source(%dma_start3A_18 : memref<10000x128xf32, #tpu.memory_space<hbm>>) target(%dma_start3A_13 : memref<40x128xf32, #tpu.memory_space<vmem>>) offsets(%dma_start3A_15 : memref<40xi32, #tpu.memory_space<vmem>>) semaphore(%dma_start3A_20 : memref<!tpu.dma_semaphore, #tpu.memory_space<semaphore_mem>>)
    %dma_start3A_21 = arith.constant 1 : i32
    %dma_start3A_22 = arith.constant 1 : i32
    %dma_start3A_23 = arith.constant 0 : i32
    %dma_start3A_24 = arith.constant 0 : i32
    %dma_start3A_25 = tpu.memref_slice %arg9[%dma_start3A_21, %dma_start3A_23, %dma_start3A_24] : memref<5x40x128xf32, #tpu.memory_space<vmem>> -> memref<1x40x128xf32, #tpu.memory_space<vmem>>
    %dma_start3A_26 = tpu.memref_squeeze %dma_start3A_25 : memref<1x40x128xf32, #tpu.memory_space<vmem>> -> memref<40x128xf32, #tpu.memory_space<vmem>>
    %dma_start3A_27 = arith.constant 40 : i32
    %dma_start3A_28 = tpu.memref_slice %arg7[%dma_start3A_27] : memref<10000xi32, #tpu.memory_space<vmem>> -> memref<40xi32, #tpu.memory_space<vmem>>
    %dma_start3A_29 = arith.constant 0 : i32
    %dma_start3A_30 = arith.constant 0 : i32
    %dma_start3A_31 = tpu.memref_slice %arg2[%dma_start3A_29, %dma_start3A_30] : memref<10000x128xf32, #tpu.memory_space<hbm>> -> memref<10000x128xf32, #tpu.memory_space<hbm>>
    %dma_start3A_32 = tpu.memref_slice %arg10[%dma_start3A_22] : memref<5x!tpu.dma_semaphore, #tpu.memory_space<semaphore_mem>> -> memref<1x!tpu.dma_semaphore, #tpu.memory_space<semaphore_mem>>
    %dma_start3A_33 = tpu.memref_squeeze %dma_start3A_32 : memref<1x!tpu.dma_semaphore, #tpu.memory_space<semaphore_mem>> -> memref<!tpu.dma_semaphore, #tpu.memory_space<semaphore_mem>>
    tpu.enqueue_indirect_dma source(%dma_start3A_31 : memref<10000x128xf32, #tpu.memory_space<hbm>>) target(%dma_start3A_26 : memref<40x128xf32, #tpu.memory_space<vmem>>) offsets(%dma_start3A_28 : memref<40xi32, #tpu.memory_space<vmem>>) semaphore(%dma_start3A_33 : memref<!tpu.dma_semaphore, #tpu.memory_space<semaphore_mem>>)
    %dma_start3A_34 = arith.constant 2 : i32
    %dma_start3A_35 = arith.constant 2 : i32
    %dma_start3A_36 = arith.constant 0 : i32
    %dma_start3A_37 = arith.constant 0 : i32
    %dma_start3A_38 = tpu.memref_slice %arg9[%dma_start3A_34, %dma_start3A_36, %dma_start3A_37] : memref<5x40x128xf32, #tpu.memory_space<vmem>> -> memref<1x40x128xf32, #tpu.memory_space<vmem>>
    %dma_start3A_39 = tpu.memref_squeeze %dma_start3A_38 : memref<1x40x128xf32, #tpu.memory_space<vmem>> -> memref<40x128xf32, #tpu.memory_space<vmem>>
    %dma_start3A_40 = arith.constant 80 : i32
    %dma_start3A_41 = tpu.memref_slice %arg7[%dma_start3A_40] : memref<10000xi32, #tpu.memory_space<vmem>> -> memref<40xi32, #tpu.memory_space<vmem>>
    %dma_start3A_42 = arith.constant 0 : i32
    %dma_start3A_43 = arith.constant 0 : i32
    %dma_start3A_44 = tpu.memref_slice %arg2[%dma_start3A_42, %dma_start3A_43] : memref<10000x128xf32, #tpu.memory_space<hbm>> -> memref<10000x128xf32, #tpu.memory_space<hbm>>
    %dma_start3A_45 = tpu.memref_slice %arg10[%dma_start3A_35] : memref<5x!tpu.dma_semaphore, #tpu.memory_space<semaphore_mem>> -> memref<1x!tpu.dma_semaphore, #tpu.memory_space<semaphore_mem>>
    %dma_start3A_46 = tpu.memref_squeeze %dma_start3A_45 : memref<1x!tpu.dma_semaphore, #tpu.memory_space<semaphore_mem>> -> memref<!tpu.dma_semaphore, #tpu.memory_space<semaphore_mem>>
    tpu.enqueue_indirect_dma source(%dma_start3A_44 : memref<10000x128xf32, #tpu.memory_space<hbm>>) target(%dma_start3A_39 : memref<40x128xf32, #tpu.memory_space<vmem>>) offsets(%dma_start3A_41 : memref<40xi32, #tpu.memory_space<vmem>>) semaphore(%dma_start3A_46 : memref<!tpu.dma_semaphore, #tpu.memory_space<semaphore_mem>>)
    %dma_start3A_47 = arith.constant 3 : i32
    %dma_start3A_48 = arith.constant 3 : i32
    %dma_start3A_49 = arith.constant 0 : i32
    %dma_start3A_50 = arith.constant 0 : i32
    %dma_start3A_51 = tpu.memref_slice %arg9[%dma_start3A_47, %dma_start3A_49, %dma_start3A_50] : memref<5x40x128xf32, #tpu.memory_space<vmem>> -> memref<1x40x128xf32, #tpu.memory_space<vmem>>
    %dma_start3A_52 = tpu.memref_squeeze %dma_start3A_51 : memref<1x40x128xf32, #tpu.memory_space<vmem>> -> memref<40x128xf32, #tpu.memory_space<vmem>>
    %dma_start3A_53 = arith.constant 120 : i32
    %dma_start3A_54 = tpu.memref_slice %arg7[%dma_start3A_53] : memref<10000xi32, #tpu.memory_space<vmem>> -> memref<40xi32, #tpu.memory_space<vmem>>
    %dma_start3A_55 = arith.constant 0 : i32
    %dma_start3A_56 = arith.constant 0 : i32
    %dma_start3A_57 = tpu.memref_slice %arg2[%dma_start3A_55, %dma_start3A_56] : memref<10000x128xf32, #tpu.memory_space<hbm>> -> memref<10000x128xf32, #tpu.memory_space<hbm>>
    %dma_start3A_58 = tpu.memref_slice %arg10[%dma_start3A_48] : memref<5x!tpu.dma_semaphore, #tpu.memory_space<semaphore_mem>> -> memref<1x!tpu.dma_semaphore, #tpu.memory_space<semaphore_mem>>
    %dma_start3A_59 = tpu.memref_squeeze %dma_start3A_58 : memref<1x!tpu.dma_semaphore, #tpu.memory_space<semaphore_mem>> -> memref<!tpu.dma_semaphore, #tpu.memory_space<semaphore_mem>>
    tpu.enqueue_indirect_dma source(%dma_start3A_57 : memref<10000x128xf32, #tpu.memory_space<hbm>>) target(%dma_start3A_52 : memref<40x128xf32, #tpu.memory_space<vmem>>) offsets(%dma_start3A_54 : memref<40xi32, #tpu.memory_space<vmem>>) semaphore(%dma_start3A_59 : memref<!tpu.dma_semaphore, #tpu.memory_space<semaphore_mem>>)
    %scan3A = arith.constant 0 : i32
    %scan3A_60 = arith.constant 0 : i32
    %scan3A_61 = arith.constant 250 : i32
    %scan3A_62 = arith.addi %scan3A_60, %scan3A_61 : i32
    %scan3A_63 = arith.constant 1 : i32
    scf.for %scan3A_134 = %scan3A_60 to %scan3A_62 step %scan3A_63  : i32 {
      %rem3A = arith.constant 5 : i32
      %rem3A_135 = arith.remsi %scan3A_134, %rem3A : i32
      %add3A_136 = arith.constant 5 : i32
      %add3A_137 = arith.addi %scan3A_134, %add3A_136 : i32
      %sub3A = arith.constant 1 : i32
      %sub3A_138 = arith.subi %add3A_137, %sub3A : i32
      %rem3A_139 = arith.constant 5 : i32
      %rem3A_140 = arith.remsi %sub3A_138, %rem3A_139 : i32
      %add3A_141 = arith.constant 5 : i32
      %add3A_142 = arith.addi %scan3A_134, %add3A_141 : i32
      %sub3A_143 = arith.constant 1 : i32
      %sub3A_144 = arith.subi %add3A_142, %sub3A_143 : i32
      %lt3A = arith.constant 250 : i32
      %lt3A_145 = arith.cmpi slt, %sub3A_144, %lt3A : i32
      %convert_element_type3A = arith.extui %lt3A_145 : i1 to i32
      %cond3A = arith.constant 0 : i32
      %cond3A_146 = arith.cmpi ne, %convert_element_type3A, %cond3A : i32
      scf.if %cond3A_146 {
        %ge3A = arith.constant 1 : i32
        %ge3A_171 = arith.cmpi sge, %scan3A_134, %ge3A : i32
        %convert_element_type3A_172 = arith.extui %ge3A_171 : i1 to i32
        %cond3A_173 = arith.constant 0 : i32
        %cond3A_174 = arith.cmpi ne, %convert_element_type3A_172, %cond3A_173 : i32
        scf.if %cond3A_174 {
          %sub3A_187 = arith.constant 1 : i32
          %sub3A_188 = arith.subi %scan3A_134, %sub3A_187 : i32
          %mul3A_189 = arith.constant 40 : i32
          %mul3A_190 = arith.muli %sub3A_188, %mul3A_189 : i32
          %dma_wait3A_191 = arith.constant 0 : i32
          %dma_wait3A_192 = arith.constant 0 : i32
          %dma_wait3A_193 = tpu.memref_slice %arg9[%rem3A_140, %dma_wait3A_191, %dma_wait3A_192] : memref<5x40x128xf32, #tpu.memory_space<vmem>> -> memref<1x40x128xf32, #tpu.memory_space<vmem>>
          %dma_wait3A_194 = tpu.memref_squeeze %dma_wait3A_193 : memref<1x40x128xf32, #tpu.memory_space<vmem>> -> memref<40x128xf32, #tpu.memory_space<vmem>>
          %dma_wait3A_195 = tpu.memref_slice %arg8[%mul3A_190] : memref<10000xi32, #tpu.memory_space<vmem>> -> memref<40xi32, #tpu.memory_space<vmem>>
          %dma_wait3A_196 = arith.constant 0 : i32
          %dma_wait3A_197 = arith.constant 0 : i32
          %dma_wait3A_198 = tpu.memref_slice %arg12[%dma_wait3A_196, %dma_wait3A_197] : memref<10240x128xf32, #tpu.memory_space<vmem_shared>> -> memref<10240x128xf32, #tpu.memory_space<vmem_shared>>
          %dma_wait3A_199 = tpu.memref_slice %arg11[%rem3A_140] : memref<5x!tpu.dma_semaphore, #tpu.memory_space<semaphore_mem>> -> memref<1x!tpu.dma_semaphore, #tpu.memory_space<semaphore_mem>>
          %dma_wait3A_200 = tpu.memref_squeeze %dma_wait3A_199 : memref<1x!tpu.dma_semaphore, #tpu.memory_space<semaphore_mem>> -> memref<!tpu.dma_semaphore, #tpu.memory_space<semaphore_mem>>
          tpu.wait_indirect_dma semaphore(%dma_wait3A_200 : memref<!tpu.dma_semaphore, #tpu.memory_space<semaphore_mem>>) src(%dma_wait3A_194 : memref<40x128xf32, #tpu.memory_space<vmem>>) dst(%dma_wait3A_198 : memref<10240x128xf32, #tpu.memory_space<vmem_shared>>)
        } else {
        }
        %mul3A_175 = arith.constant 40 : i32
        %mul3A_176 = arith.muli %sub3A_144, %mul3A_175 : i32
        %dma_start3A_177 = arith.constant 0 : i32
        %dma_start3A_178 = arith.constant 0 : i32
        %dma_start3A_179 = tpu.memref_slice %arg9[%rem3A_140, %dma_start3A_177, %dma_start3A_178] : memref<5x40x128xf32, #tpu.memory_space<vmem>> -> memref<1x40x128xf32, #tpu.memory_space<vmem>>
        %dma_start3A_180 = tpu.memref_squeeze %dma_start3A_179 : memref<1x40x128xf32, #tpu.memory_space<vmem>> -> memref<40x128xf32, #tpu.memory_space<vmem>>
        %dma_start3A_181 = tpu.memref_slice %arg7[%mul3A_176] : memref<10000xi32, #tpu.memory_space<vmem>> -> memref<40xi32, #tpu.memory_space<vmem>>
        %dma_start3A_182 = arith.constant 0 : i32
        %dma_start3A_183 = arith.constant 0 : i32
        %dma_start3A_184 = tpu.memref_slice %arg2[%dma_start3A_182, %dma_start3A_183] : memref<10000x128xf32, #tpu.memory_space<hbm>> -> memref<10000x128xf32, #tpu.memory_space<hbm>>
        %dma_start3A_185 = tpu.memref_slice %arg10[%rem3A_140] : memref<5x!tpu.dma_semaphore, #tpu.memory_space<semaphore_mem>> -> memref<1x!tpu.dma_semaphore, #tpu.memory_space<semaphore_mem>>
        %dma_start3A_186 = tpu.memref_squeeze %dma_start3A_185 : memref<1x!tpu.dma_semaphore, #tpu.memory_space<semaphore_mem>> -> memref<!tpu.dma_semaphore, #tpu.memory_space<semaphore_mem>>
        tpu.enqueue_indirect_dma source(%dma_start3A_184 : memref<10000x128xf32, #tpu.memory_space<hbm>>) target(%dma_start3A_180 : memref<40x128xf32, #tpu.memory_space<vmem>>) offsets(%dma_start3A_181 : memref<40xi32, #tpu.memory_space<vmem>>) semaphore(%dma_start3A_186 : memref<!tpu.dma_semaphore, #tpu.memory_space<semaphore_mem>>)
      } else {
      }
      %mul3A_147 = arith.constant 40 : i32
      %mul3A_148 = arith.muli %scan3A_134, %mul3A_147 : i32
      %dma_wait3A_149 = arith.constant 0 : i32
      %dma_wait3A_150 = arith.constant 0 : i32
      %dma_wait3A_151 = tpu.memref_slice %arg9[%rem3A_135, %dma_wait3A_149, %dma_wait3A_150] : memref<5x40x128xf32, #tpu.memory_space<vmem>> -> memref<1x40x128xf32, #tpu.memory_space<vmem>>
      %dma_wait3A_152 = tpu.memref_squeeze %dma_wait3A_151 : memref<1x40x128xf32, #tpu.memory_space<vmem>> -> memref<40x128xf32, #tpu.memory_space<vmem>>
      %dma_wait3A_153 = tpu.memref_slice %arg7[%mul3A_148] : memref<10000xi32, #tpu.memory_space<vmem>> -> memref<40xi32, #tpu.memory_space<vmem>>
      %dma_wait3A_154 = arith.constant 0 : i32
      %dma_wait3A_155 = arith.constant 0 : i32
      %dma_wait3A_156 = tpu.memref_slice %arg2[%dma_wait3A_154, %dma_wait3A_155] : memref<10000x128xf32, #tpu.memory_space<hbm>> -> memref<10000x128xf32, #tpu.memory_space<hbm>>
      %dma_wait3A_157 = tpu.memref_slice %arg10[%rem3A_135] : memref<5x!tpu.dma_semaphore, #tpu.memory_space<semaphore_mem>> -> memref<1x!tpu.dma_semaphore, #tpu.memory_space<semaphore_mem>>
      %dma_wait3A_158 = tpu.memref_squeeze %dma_wait3A_157 : memref<1x!tpu.dma_semaphore, #tpu.memory_space<semaphore_mem>> -> memref<!tpu.dma_semaphore, #tpu.memory_space<semaphore_mem>>
      tpu.wait_indirect_dma semaphore(%dma_wait3A_158 : memref<!tpu.dma_semaphore, #tpu.memory_space<semaphore_mem>>) src(%dma_wait3A_156 : memref<10000x128xf32, #tpu.memory_space<hbm>>) dst(%dma_wait3A_152 : memref<40x128xf32, #tpu.memory_space<vmem>>)
      %mul3A_159 = arith.constant 40 : i32
      %mul3A_160 = arith.muli %scan3A_134, %mul3A_159 : i32
      %dma_start3A_161 = arith.constant 0 : i32
      %dma_start3A_162 = arith.constant 0 : i32
      %dma_start3A_163 = tpu.memref_slice %arg9[%rem3A_135, %dma_start3A_161, %dma_start3A_162] : memref<5x40x128xf32, #tpu.memory_space<vmem>> -> memref<1x40x128xf32, #tpu.memory_space<vmem>>
      %dma_start3A_164 = tpu.memref_squeeze %dma_start3A_163 : memref<1x40x128xf32, #tpu.memory_space<vmem>> -> memref<40x128xf32, #tpu.memory_space<vmem>>
      %dma_start3A_165 = tpu.memref_slice %arg8[%mul3A_160] : memref<10000xi32, #tpu.memory_space<vmem>> -> memref<40xi32, #tpu.memory_space<vmem>>
      %dma_start3A_166 = arith.constant 0 : i32
      %dma_start3A_167 = arith.constant 0 : i32
      %dma_start3A_168 = tpu.memref_slice %arg12[%dma_start3A_166, %dma_start3A_167] : memref<10240x128xf32, #tpu.memory_space<vmem_shared>> -> memref<10240x128xf32, #tpu.memory_space<vmem_shared>>
      %dma_start3A_169 = tpu.memref_slice %arg11[%rem3A_135] : memref<5x!tpu.dma_semaphore, #tpu.memory_space<semaphore_mem>> -> memref<1x!tpu.dma_semaphore, #tpu.memory_space<semaphore_mem>>
      %dma_start3A_170 = tpu.memref_squeeze %dma_start3A_169 : memref<1x!tpu.dma_semaphore, #tpu.memory_space<semaphore_mem>> -> memref<!tpu.dma_semaphore, #tpu.memory_space<semaphore_mem>>
      tpu.enqueue_indirect_dma source(%dma_start3A_164 : memref<40x128xf32, #tpu.memory_space<vmem>>) target(%dma_start3A_168 : memref<10240x128xf32, #tpu.memory_space<vmem_shared>>) offsets(%dma_start3A_165 : memref<40xi32, #tpu.memory_space<vmem>>) semaphore(%dma_start3A_170 : memref<!tpu.dma_semaphore, #tpu.memory_space<semaphore_mem>>) {add = true}
    }
    %scan3A_64 = arith.constant 250 : i32
    %dma_wait3A = arith.constant 0 : i32
    %dma_wait3A_65 = arith.constant 0 : i32
    %dma_wait3A_66 = arith.constant 0 : i32
    %dma_wait3A_67 = arith.constant 0 : i32
    %dma_wait3A_68 = tpu.memref_slice %arg9[%dma_wait3A, %dma_wait3A_66, %dma_wait3A_67] : memref<5x40x128xf32, #tpu.memory_space<vmem>> -> memref<1x40x128xf32, #tpu.memory_space<vmem>>
    %dma_wait3A_69 = tpu.memref_squeeze %dma_wait3A_68 : memref<1x40x128xf32, #tpu.memory_space<vmem>> -> memref<40x128xf32, #tpu.memory_space<vmem>>
    %dma_wait3A_70 = arith.constant 9800 : i32
    %dma_wait3A_71 = tpu.memref_slice %arg8[%dma_wait3A_70] : memref<10000xi32, #tpu.memory_space<vmem>> -> memref<40xi32, #tpu.memory_space<vmem>>
    %dma_wait3A_72 = arith.constant 0 : i32
    %dma_wait3A_73 = arith.constant 0 : i32
    %dma_wait3A_74 = tpu.memref_slice %arg12[%dma_wait3A_72, %dma_wait3A_73] : memref<10240x128xf32, #tpu.memory_space<vmem_shared>> -> memref<10240x128xf32, #tpu.memory_space<vmem_shared>>
    %dma_wait3A_75 = tpu.memref_slice %arg11[%dma_wait3A_65] : memref<5x!tpu.dma_semaphore, #tpu.memory_space<semaphore_mem>> -> memref<1x!tpu.dma_semaphore, #tpu.memory_space<semaphore_mem>>
    %dma_wait3A_76 = tpu.memref_squeeze %dma_wait3A_75 : memref<1x!tpu.dma_semaphore, #tpu.memory_space<semaphore_mem>> -> memref<!tpu.dma_semaphore, #tpu.memory_space<semaphore_mem>>
    tpu.wait_indirect_dma semaphore(%dma_wait3A_76 : memref<!tpu.dma_semaphore, #tpu.memory_space<semaphore_mem>>) src(%dma_wait3A_69 : memref<40x128xf32, #tpu.memory_space<vmem>>) dst(%dma_wait3A_74 : memref<10240x128xf32, #tpu.memory_space<vmem_shared>>)
    %dma_wait3A_77 = arith.constant 1 : i32
    %dma_wait3A_78 = arith.constant 1 : i32
    %dma_wait3A_79 = arith.constant 0 : i32
    %dma_wait3A_80 = arith.constant 0 : i32
    %dma_wait3A_81 = tpu.memref_slice %arg9[%dma_wait3A_77, %dma_wait3A_79, %dma_wait3A_80] : memref<5x40x128xf32, #tpu.memory_space<vmem>> -> memref<1x40x128xf32, #tpu.memory_space<vmem>>
    %dma_wait3A_82 = tpu.memref_squeeze %dma_wait3A_81 : memref<1x40x128xf32, #tpu.memory_space<vmem>> -> memref<40x128xf32, #tpu.memory_space<vmem>>
    %dma_wait3A_83 = arith.constant 9840 : i32
    %dma_wait3A_84 = tpu.memref_slice %arg8[%dma_wait3A_83] : memref<10000xi32, #tpu.memory_space<vmem>> -> memref<40xi32, #tpu.memory_space<vmem>>
    %dma_wait3A_85 = arith.constant 0 : i32
    %dma_wait3A_86 = arith.constant 0 : i32
    %dma_wait3A_87 = tpu.memref_slice %arg12[%dma_wait3A_85, %dma_wait3A_86] : memref<10240x128xf32, #tpu.memory_space<vmem_shared>> -> memref<10240x128xf32, #tpu.memory_space<vmem_shared>>
    %dma_wait3A_88 = tpu.memref_slice %arg11[%dma_wait3A_78] : memref<5x!tpu.dma_semaphore, #tpu.memory_space<semaphore_mem>> -> memref<1x!tpu.dma_semaphore, #tpu.memory_space<semaphore_mem>>
    %dma_wait3A_89 = tpu.memref_squeeze %dma_wait3A_88 : memref<1x!tpu.dma_semaphore, #tpu.memory_space<semaphore_mem>> -> memref<!tpu.dma_semaphore, #tpu.memory_space<semaphore_mem>>
    tpu.wait_indirect_dma semaphore(%dma_wait3A_89 : memref<!tpu.dma_semaphore, #tpu.memory_space<semaphore_mem>>) src(%dma_wait3A_82 : memref<40x128xf32, #tpu.memory_space<vmem>>) dst(%dma_wait3A_87 : memref<10240x128xf32, #tpu.memory_space<vmem_shared>>)
    %dma_wait3A_90 = arith.constant 2 : i32
    %dma_wait3A_91 = arith.constant 2 : i32
    %dma_wait3A_92 = arith.constant 0 : i32
    %dma_wait3A_93 = arith.constant 0 : i32
    %dma_wait3A_94 = tpu.memref_slice %arg9[%dma_wait3A_90, %dma_wait3A_92, %dma_wait3A_93] : memref<5x40x128xf32, #tpu.memory_space<vmem>> -> memref<1x40x128xf32, #tpu.memory_space<vmem>>
    %dma_wait3A_95 = tpu.memref_squeeze %dma_wait3A_94 : memref<1x40x128xf32, #tpu.memory_space<vmem>> -> memref<40x128xf32, #tpu.memory_space<vmem>>
    %dma_wait3A_96 = arith.constant 9880 : i32
    %dma_wait3A_97 = tpu.memref_slice %arg8[%dma_wait3A_96] : memref<10000xi32, #tpu.memory_space<vmem>> -> memref<40xi32, #tpu.memory_space<vmem>>
    %dma_wait3A_98 = arith.constant 0 : i32
    %dma_wait3A_99 = arith.constant 0 : i32
    %dma_wait3A_100 = tpu.memref_slice %arg12[%dma_wait3A_98, %dma_wait3A_99] : memref<10240x128xf32, #tpu.memory_space<vmem_shared>> -> memref<10240x128xf32, #tpu.memory_space<vmem_shared>>
    %dma_wait3A_101 = tpu.memref_slice %arg11[%dma_wait3A_91] : memref<5x!tpu.dma_semaphore, #tpu.memory_space<semaphore_mem>> -> memref<1x!tpu.dma_semaphore, #tpu.memory_space<semaphore_mem>>
    %dma_wait3A_102 = tpu.memref_squeeze %dma_wait3A_101 : memref<1x!tpu.dma_semaphore, #tpu.memory_space<semaphore_mem>> -> memref<!tpu.dma_semaphore, #tpu.memory_space<semaphore_mem>>
    tpu.wait_indirect_dma semaphore(%dma_wait3A_102 : memref<!tpu.dma_semaphore, #tpu.memory_space<semaphore_mem>>) src(%dma_wait3A_95 : memref<40x128xf32, #tpu.memory_space<vmem>>) dst(%dma_wait3A_100 : memref<10240x128xf32, #tpu.memory_space<vmem_shared>>)
    %dma_wait3A_103 = arith.constant 3 : i32
    %dma_wait3A_104 = arith.constant 3 : i32
    %dma_wait3A_105 = arith.constant 0 : i32
    %dma_wait3A_106 = arith.constant 0 : i32
    %dma_wait3A_107 = tpu.memref_slice %arg9[%dma_wait3A_103, %dma_wait3A_105, %dma_wait3A_106] : memref<5x40x128xf32, #tpu.memory_space<vmem>> -> memref<1x40x128xf32, #tpu.memory_space<vmem>>
    %dma_wait3A_108 = tpu.memref_squeeze %dma_wait3A_107 : memref<1x40x128xf32, #tpu.memory_space<vmem>> -> memref<40x128xf32, #tpu.memory_space<vmem>>
    %dma_wait3A_109 = arith.constant 9920 : i32
    %dma_wait3A_110 = tpu.memref_slice %arg8[%dma_wait3A_109] : memref<10000xi32, #tpu.memory_space<vmem>> -> memref<40xi32, #tpu.memory_space<vmem>>
    %dma_wait3A_111 = arith.constant 0 : i32
    %dma_wait3A_112 = arith.constant 0 : i32
    %dma_wait3A_113 = tpu.memref_slice %arg12[%dma_wait3A_111, %dma_wait3A_112] : memref<10240x128xf32, #tpu.memory_space<vmem_shared>> -> memref<10240x128xf32, #tpu.memory_space<vmem_shared>>
    %dma_wait3A_114 = tpu.memref_slice %arg11[%dma_wait3A_104] : memref<5x!tpu.dma_semaphore, #tpu.memory_space<semaphore_mem>> -> memref<1x!tpu.dma_semaphore, #tpu.memory_space<semaphore_mem>>
    %dma_wait3A_115 = tpu.memref_squeeze %dma_wait3A_114 : memref<1x!tpu.dma_semaphore, #tpu.memory_space<semaphore_mem>> -> memref<!tpu.dma_semaphore, #tpu.memory_space<semaphore_mem>>
    tpu.wait_indirect_dma semaphore(%dma_wait3A_115 : memref<!tpu.dma_semaphore, #tpu.memory_space<semaphore_mem>>) src(%dma_wait3A_108 : memref<40x128xf32, #tpu.memory_space<vmem>>) dst(%dma_wait3A_113 : memref<10240x128xf32, #tpu.memory_space<vmem_shared>>)
    %dma_wait3A_116 = arith.constant 4 : i32
    %dma_wait3A_117 = arith.constant 4 : i32
    %dma_wait3A_118 = arith.constant 0 : i32
    %dma_wait3A_119 = arith.constant 0 : i32
    %dma_wait3A_120 = tpu.memref_slice %arg9[%dma_wait3A_116, %dma_wait3A_118, %dma_wait3A_119] : memref<5x40x128xf32, #tpu.memory_space<vmem>> -> memref<1x40x128xf32, #tpu.memory_space<vmem>>
    %dma_wait3A_121 = tpu.memref_squeeze %dma_wait3A_120 : memref<1x40x128xf32, #tpu.memory_space<vmem>> -> memref<40x128xf32, #tpu.memory_space<vmem>>
    %dma_wait3A_122 = arith.constant 9960 : i32
    %dma_wait3A_123 = tpu.memref_slice %arg8[%dma_wait3A_122] : memref<10000xi32, #tpu.memory_space<vmem>> -> memref<40xi32, #tpu.memory_space<vmem>>
    %dma_wait3A_124 = arith.constant 0 : i32
    %dma_wait3A_125 = arith.constant 0 : i32
    %dma_wait3A_126 = tpu.memref_slice %arg12[%dma_wait3A_124, %dma_wait3A_125] : memref<10240x128xf32, #tpu.memory_space<vmem_shared>> -> memref<10240x128xf32, #tpu.memory_space<vmem_shared>>
    %dma_wait3A_127 = tpu.memref_slice %arg11[%dma_wait3A_117] : memref<5x!tpu.dma_semaphore, #tpu.memory_space<semaphore_mem>> -> memref<1x!tpu.dma_semaphore, #tpu.memory_space<semaphore_mem>>
    %dma_wait3A_128 = tpu.memref_squeeze %dma_wait3A_127 : memref<1x!tpu.dma_semaphore, #tpu.memory_space<semaphore_mem>> -> memref<!tpu.dma_semaphore, #tpu.memory_space<semaphore_mem>>
    tpu.wait_indirect_dma semaphore(%dma_wait3A_128 : memref<!tpu.dma_semaphore, #tpu.memory_space<semaphore_mem>>) src(%dma_wait3A_121 : memref<40x128xf32, #tpu.memory_space<vmem>>) dst(%dma_wait3A_126 : memref<10240x128xf32, #tpu.memory_space<vmem_shared>>)
    %barrier3A_129 = arith.constant 0 : index
    tpu.barrier barrier_id(%barrier3A_129)
    %mul3A_130 = arith.constant 640 : i32
    %mul3A_131 = arith.muli %arg1, %mul3A_130 : i32
    %mul3A_132 = arith.constant 640 : i32
    %mul3A_133 = arith.muli %arg1, %mul3A_132 : i32
    "tpu.region"() ({
      %run_scoped3A = tpu.sem_alloc : memref<!tpu.dma_semaphore, #tpu.memory_space<semaphore_mem>>
      %dma_start3A_134 = arith.constant 0 : i32
      %dma_start3A_135 = tpu.memref_slice %arg6[%arg0, %mul3A_133, %dma_start3A_134] : memref<2x10240x128xf32, #tpu.memory_space<hbm>> -> memref<1x640x128xf32, #tpu.memory_space<hbm>>
      %dma_start3A_136 = tpu.memref_squeeze %dma_start3A_135 : memref<1x640x128xf32, #tpu.memory_space<hbm>> -> memref<640x128xf32, #tpu.memory_space<hbm>>
      %dma_start3A_137 = arith.constant 0 : i32
      %dma_start3A_138 = tpu.memref_slice %arg12[%mul3A_131, %dma_start3A_137] : memref<10240x128xf32, #tpu.memory_space<vmem_shared>> -> memref<640x128xf32, #tpu.memory_space<vmem_shared>>
      tpu.enqueue_dma source(%dma_start3A_138 : memref<640x128xf32, #tpu.memory_space<vmem_shared>>) target(%dma_start3A_136 : memref<640x128xf32, #tpu.memory_space<hbm>>) target_semaphore(%run_scoped3A : memref<!tpu.dma_semaphore, #tpu.memory_space<semaphore_mem>>)
      %dma_wait3A_139 = arith.constant 0 : i32
      %dma_wait3A_140 = tpu.memref_slice %arg6[%arg0, %mul3A_133, %dma_wait3A_139] : memref<2x10240x128xf32, #tpu.memory_space<hbm>> -> memref<1x640x128xf32, #tpu.memory_space<hbm>>
      %dma_wait3A_141 = tpu.memref_squeeze %dma_wait3A_140 : memref<1x640x128xf32, #tpu.memory_space<hbm>> -> memref<640x128xf32, #tpu.memory_space<hbm>>
      %dma_wait3A_142 = arith.constant 0 : i32
      %dma_wait3A_143 = tpu.memref_slice %arg12[%mul3A_131, %dma_wait3A_142] : memref<10240x128xf32, #tpu.memory_space<vmem_shared>> -> memref<640x128xf32, #tpu.memory_space<vmem_shared>>
      tpu.wait_dma2 semaphore(%run_scoped3A : memref<!tpu.dma_semaphore, #tpu.memory_space<semaphore_mem>>) src(%dma_wait3A_143 : memref<640x128xf32, #tpu.memory_space<vmem_shared>>) dst(%dma_wait3A_141 : memref<640x128xf32, #tpu.memory_space<hbm>>)
      tpu.yield
    }) : () -> ()
    return
  }
}

module attributes {stable_mosaic.version = 14 : i64} {
  func.func @_norm_body(%arg0: i32, %arg1: memref<1000x128xf32, #tpu.memory_space<vmem>>, %arg2: memref<8x128xf32, #tpu.memory_space<vmem>>, %arg3: memref<128xf32, #tpu.memory_space<vmem>>, %arg4: memref<128xf32, #tpu.memory_space<vmem>>, %arg5: memref<1000x128xf32, #tpu.memory_space<vmem>>) attributes {dimension_semantics = [#tpu.dimension_semantics<arbitrary>], iteration_bounds = array<i64: 10>, scalar_prefetch = 0 : i64, scratch_operands = 0 : i64, tpu.core_type = #tpu.core_type<tc>, window_params = [{transform_indices = @transform_0, window_bounds = array<i64: 1000, 128>}, {pipeline_mode = #tpu.pipeline_mode<synchronous>, transform_indices = @transform_1, window_bounds = array<i64: 8, 128>}, {pipeline_mode = #tpu.pipeline_mode<synchronous>, transform_indices = @transform_2, window_bounds = array<i64: 128>}, {pipeline_mode = #tpu.pipeline_mode<synchronous>, transform_indices = @transform_3, window_bounds = array<i64: 128>}, {transform_indices = @transform_4, window_bounds = array<i64: 1000, 128>}]} {
    %get3A = arith.constant 0 : index
    %get3A_0 = arith.constant 0 : index
    %get3A_1 = vector.load %arg2[%get3A, %get3A_0] : memref<8x128xf32, #tpu.memory_space<vmem>>, vector<1x128xf32>
    %get3A_2 = vector.shape_cast %get3A_1 : vector<1x128xf32> to vector<128xf32>
    %div3A = arith.constant 1.000000e+04 : f32
    %div3A_3 = vector.broadcast %div3A : f32 to vector<128xf32>
    %div3A_4 = arith.divf %get3A_2, %div3A_3 : vector<128xf32>
    %get3A_5 = arith.constant 1 : index
    %get3A_6 = arith.constant 0 : index
    %get3A_7 = vector.load %arg2[%get3A_5, %get3A_6] : memref<8x128xf32, #tpu.memory_space<vmem>>, vector<1x128xf32>
    %get3A_8 = vector.shape_cast %get3A_7 : vector<1x128xf32> to vector<128xf32>
    %div3A_9 = arith.constant 1.000000e+04 : f32
    %div3A_10 = vector.broadcast %div3A_9 : f32 to vector<128xf32>
    %div3A_11 = arith.divf %get3A_8, %div3A_10 : vector<128xf32>
    %mul3A = arith.mulf %div3A_4, %div3A_4 : vector<128xf32>
    %sub3A = arith.subf %div3A_11, %mul3A : vector<128xf32>
    %add3A = arith.constant 9.99999974E-6 : f32
    %add3A_12 = vector.broadcast %add3A : f32 to vector<128xf32>
    %add3A_13 = arith.addf %sub3A, %add3A_12 : vector<128xf32>
    %rsqrt3A = math.rsqrt %add3A_13 : vector<128xf32>
    %get3A_14 = arith.constant 0 : index
    %get3A_15 = vector.load %arg3[%get3A_14] : memref<128xf32, #tpu.memory_space<vmem>>, vector<128xf32>
    %mul3A_16 = arith.mulf %rsqrt3A, %get3A_15 : vector<128xf32>
    %get3A_17 = arith.constant 0 : index
    %get3A_18 = arith.constant 0 : index
    %get3A_19 = vector.load %arg1[%get3A_17, %get3A_18] : memref<1000x128xf32, #tpu.memory_space<vmem>>, vector<1000x128xf32>
    %broadcast_in_dim3A = vector.shape_cast %div3A_4 : vector<128xf32> to vector<1x128xf32>
    %sub3A_20 = vector.broadcast %broadcast_in_dim3A : vector<1x128xf32> to vector<1000x128xf32>
    %sub3A_21 = arith.subf %get3A_19, %sub3A_20 : vector<1000x128xf32>
    %broadcast_in_dim3A_22 = vector.shape_cast %mul3A_16 : vector<128xf32> to vector<1x128xf32>
    %mul3A_23 = vector.broadcast %broadcast_in_dim3A_22 : vector<1x128xf32> to vector<1000x128xf32>
    %mul3A_24 = arith.mulf %sub3A_21, %mul3A_23 : vector<1000x128xf32>
    %get3A_25 = arith.constant 0 : index
    %get3A_26 = vector.load %arg4[%get3A_25] : memref<128xf32, #tpu.memory_space<vmem>>, vector<128xf32>
    %broadcast_in_dim3A_27 = vector.shape_cast %get3A_26 : vector<128xf32> to vector<1x128xf32>
    %add3A_28 = vector.broadcast %broadcast_in_dim3A_27 : vector<1x128xf32> to vector<1000x128xf32>
    %add3A_29 = arith.addf %mul3A_24, %add3A_28 : vector<1000x128xf32>
    %swap3A = arith.constant 0 : index
    %swap3A_30 = arith.constant 0 : index
    %swap3A_31 = vector.load %arg5[%swap3A, %swap3A_30] : memref<1000x128xf32, #tpu.memory_space<vmem>>, vector<1000x128xf32>
    tpu.vector_store %arg5[%swap3A, %swap3A_30], %add3A_29 {strides = array<i32>} : memref<1000x128xf32, #tpu.memory_space<vmem>>, vector<1000x128xf32>,
    return
  }
  func.func @transform_0(%arg0: i32) -> (i32, i32) {
    %c0_i32 = arith.constant 0 : i32
    %c0_i32_0 = arith.constant 0 : i32
    return %arg0, %c0_i32 : i32, i32
  }
  func.func @transform_1(%arg0: i32) -> (i32, i32) {
    %c0_i32 = arith.constant 0 : i32
    %c0_i32_0 = arith.constant 0 : i32
    %c0_i32_1 = arith.constant 0 : i32
    return %c0_i32, %c0_i32_0 : i32, i32
  }
  func.func @transform_2(%arg0: i32) -> i32 {
    %c0_i32 = arith.constant 0 : i32
    %c0_i32_0 = arith.constant 0 : i32
    return %c0_i32 : i32
  }
  func.func @transform_3(%arg0: i32) -> i32 {
    %c0_i32 = arith.constant 0 : i32
    %c0_i32_0 = arith.constant 0 : i32
    return %c0_i32 : i32
  }
  func.func @transform_4(%arg0: i32) -> (i32, i32) {
    %c0_i32 = arith.constant 0 : i32
    %c0_i32_0 = arith.constant 0 : i32
    return %arg0, %c0_i32 : i32, i32
  }
}

module attributes {stable_mosaic.version = 14 : i64} {
  func.func @_mlp_body(%arg0: i32, %arg1: memref<1000x128xf32, #tpu.memory_space<vmem>>, %arg2: memref<2x1000x128xf32, #tpu.memory_space<vmem>>, %arg3: memref<128x128xf32, #tpu.memory_space<vmem>>, %arg4: memref<128xf32, #tpu.memory_space<vmem>>, %arg5: memref<128x128xf32, #tpu.memory_space<vmem>>, %arg6: memref<128xf32, #tpu.memory_space<vmem>>, %arg7: memref<1000x128xf32, #tpu.memory_space<vmem>>, %arg8: memref<8x128xf32, #tpu.memory_space<vmem>>) attributes {dimension_semantics = [#tpu.dimension_semantics<arbitrary>], iteration_bounds = array<i64: 10>, scalar_prefetch = 0 : i64, scratch_operands = 0 : i64, tpu.core_type = #tpu.core_type<tc>, window_params = [{transform_indices = @transform_0, window_bounds = array<i64: 1000, 128>}, {transform_indices = @transform_1, window_bounds = array<i64: 2, 1000, 128>}, {pipeline_mode = #tpu.pipeline_mode<synchronous>, transform_indices = @transform_2, window_bounds = array<i64: 128, 128>}, {pipeline_mode = #tpu.pipeline_mode<synchronous>, transform_indices = @transform_3, window_bounds = array<i64: 128>}, {pipeline_mode = #tpu.pipeline_mode<synchronous>, transform_indices = @transform_4, window_bounds = array<i64: 128, 128>}, {pipeline_mode = #tpu.pipeline_mode<synchronous>, transform_indices = @transform_5, window_bounds = array<i64: 128>}, {transform_indices = @transform_6, window_bounds = array<i64: 1000, 128>}, {pipeline_mode = #tpu.pipeline_mode<synchronous>, transform_indices = @transform_7, window_bounds = array<i64: 8, 128>}]} {
    %get3A = arith.constant 0 : index
    %get3A_0 = arith.constant 0 : index
    %get3A_1 = vector.load %arg1[%get3A, %get3A_0] : memref<1000x128xf32, #tpu.memory_space<vmem>>, vector<1000x128xf32>
    %get3A_2 = arith.constant 0 : index
    %get3A_3 = arith.constant 0 : index
    %get3A_4 = arith.constant 0 : index
    %get3A_5 = vector.load %arg2[%get3A_2, %get3A_3, %get3A_4] : memref<2x1000x128xf32, #tpu.memory_space<vmem>>, vector<1x1000x128xf32>
    %get3A_6 = vector.shape_cast %get3A_5 : vector<1x1000x128xf32> to vector<1000x128xf32>
    %add3A = arith.addf %get3A_1, %get3A_6 : vector<1000x128xf32>
    %get3A_7 = arith.constant 1 : index
    %get3A_8 = arith.constant 0 : index
    %get3A_9 = arith.constant 0 : index
    %get3A_10 = vector.load %arg2[%get3A_7, %get3A_8, %get3A_9] : memref<2x1000x128xf32, #tpu.memory_space<vmem>>, vector<1x1000x128xf32>
    %get3A_11 = vector.shape_cast %get3A_10 : vector<1x1000x128xf32> to vector<1000x128xf32>
    %add3A_12 = arith.addf %add3A, %get3A_11 : vector<1000x128xf32>
    %get3A_13 = arith.constant 0 : index
    %get3A_14 = arith.constant 0 : index
    %get3A_15 = vector.load %arg3[%get3A_13, %get3A_14] : memref<128x128xf32, #tpu.memory_space<vmem>>, vector<128x128xf32>
    %dot_general3A = arith.constant dense<0.000000e+00> : vector<1000x128xf32>
    %dot_general3A_16 = tpu.matmul %add3A_12, %get3A_15, %dot_general3A {dimension_numbers = #tpu.dot_dimension_numbers<[1], [0], [0], [1], [0, 0, 1, 1], [], []>, transpose_lhs_hint = false} : vector<1000x128xf32>, vector<128x128xf32>, vector<1000x128xf32> -> vector<1000x128xf32>
    %get3A_17 = arith.constant 0 : index
    %get3A_18 = vector.load %arg4[%get3A_17] : memref<128xf32, #tpu.memory_space<vmem>>, vector<128xf32>
    %broadcast_in_dim3A = vector.shape_cast %get3A_18 : vector<128xf32> to vector<1x128xf32>
    %add3A_19 = vector.broadcast %broadcast_in_dim3A : vector<1x128xf32> to vector<1000x128xf32>
    %add3A_20 = arith.addf %dot_general3A_16, %add3A_19 : vector<1000x128xf32>
    %max3A = arith.constant 0.000000e+00 : f32
    %max3A_21 = vector.broadcast %max3A : f32 to vector<1000x128xf32>
    %max3A_22 = arith.maximumf %add3A_20, %max3A_21 : vector<1000x128xf32>
    %get3A_23 = arith.constant 0 : index
    %get3A_24 = arith.constant 0 : index
    %get3A_25 = vector.load %arg5[%get3A_23, %get3A_24] : memref<128x128xf32, #tpu.memory_space<vmem>>, vector<128x128xf32>
    %dot_general3A_26 = arith.constant dense<0.000000e+00> : vector<1000x128xf32>
    %dot_general3A_27 = tpu.matmul %max3A_22, %get3A_25, %dot_general3A_26 {dimension_numbers = #tpu.dot_dimension_numbers<[1], [0], [0], [1], [0, 0, 1, 1], [], []>, transpose_lhs_hint = false} : vector<1000x128xf32>, vector<128x128xf32>, vector<1000x128xf32> -> vector<1000x128xf32>
    %get3A_28 = arith.constant 0 : index
    %get3A_29 = vector.load %arg6[%get3A_28] : memref<128xf32, #tpu.memory_space<vmem>>, vector<128xf32>
    %broadcast_in_dim3A_30 = vector.shape_cast %get3A_29 : vector<128xf32> to vector<1x128xf32>
    %add3A_31 = vector.broadcast %broadcast_in_dim3A_30 : vector<1x128xf32> to vector<1000x128xf32>
    %add3A_32 = arith.addf %dot_general3A_27, %add3A_31 : vector<1000x128xf32>
    %swap3A = arith.constant 0 : index
    %swap3A_33 = arith.constant 0 : index
    %swap3A_34 = vector.load %arg7[%swap3A, %swap3A_33] : memref<1000x128xf32, #tpu.memory_space<vmem>>, vector<1000x128xf32>
    tpu.vector_store %arg7[%swap3A, %swap3A_33], %add3A_32 {strides = array<i32>} : memref<1000x128xf32, #tpu.memory_space<vmem>>, vector<1000x128xf32>,
    %eq3A = arith.constant 0 : i32
    %eq3A_35 = arith.cmpi eq, %arg0, %eq3A : i32
    %convert_element_type3A = arith.extui %eq3A_35 : i1 to i32
    %cond3A = arith.constant 0 : i32
    %cond3A_36 = arith.cmpi ne, %convert_element_type3A, %cond3A : i32
    scf.if %cond3A_36 {
      %broadcast_in_dim3A_60 = arith.constant 0.000000e+00 : f32
      %broadcast_in_dim3A_61 = vector.broadcast %broadcast_in_dim3A_60 : f32 to vector<8x128xf32>
      %swap3A_62 = arith.constant 0 : index
      %swap3A_63 = arith.constant 0 : index
      %swap3A_64 = vector.load %arg8[%swap3A_62, %swap3A_63] : memref<8x128xf32, #tpu.memory_space<vmem>>, vector<8x128xf32>
      tpu.vector_store %arg8[%swap3A_62, %swap3A_63], %broadcast_in_dim3A_61 {strides = array<i32>} : memref<8x128xf32, #tpu.memory_space<vmem>>, vector<8x128xf32>,
    } else {
    }
    %get3A_37 = arith.constant 0 : index
    %get3A_38 = arith.constant 0 : index
    %get3A_39 = vector.load %arg8[%get3A_37, %get3A_38] : memref<8x128xf32, #tpu.memory_space<vmem>>, vector<1x128xf32>
    %get3A_40 = vector.shape_cast %get3A_39 : vector<1x128xf32> to vector<128xf32>
    %reduce_sum3A = arith.constant dense<0.000000e+00> : vector<128xf32>
    %reduce_sum3A_41 = vector.multi_reduction <add>, %add3A_32, %reduce_sum3A [0] : vector<1000x128xf32> to vector<128xf32>
    %add3A_42 = arith.addf %get3A_40, %reduce_sum3A_41 : vector<128xf32>
    %swap3A_43 = arith.constant 0 : index
    %swap3A_44 = arith.constant 0 : index
    %swap3A_45 = vector.load %arg8[%swap3A_43, %swap3A_44] : memref<8x128xf32, #tpu.memory_space<vmem>>, vector<1x128xf32>
    %swap3A_46 = vector.shape_cast %swap3A_45 : vector<1x128xf32> to vector<128xf32>
    %swap3A_47 = vector.shape_cast %add3A_42 : vector<128xf32> to vector<1x128xf32>
    tpu.vector_store %arg8[%swap3A_43, %swap3A_44], %swap3A_47 {strides = array<i32>} : memref<8x128xf32, #tpu.memory_space<vmem>>, vector<1x128xf32>,
    %get3A_48 = arith.constant 1 : index
    %get3A_49 = arith.constant 0 : index
    %get3A_50 = vector.load %arg8[%get3A_48, %get3A_49] : memref<8x128xf32, #tpu.memory_space<vmem>>, vector<1x128xf32>
    %get3A_51 = vector.shape_cast %get3A_50 : vector<1x128xf32> to vector<128xf32>
    %mul3A = arith.mulf %add3A_32, %add3A_32 : vector<1000x128xf32>
    %reduce_sum3A_52 = arith.constant dense<0.000000e+00> : vector<128xf32>
    %reduce_sum3A_53 = vector.multi_reduction <add>, %mul3A, %reduce_sum3A_52 [0] : vector<1000x128xf32> to vector<128xf32>
    %add3A_54 = arith.addf %get3A_51, %reduce_sum3A_53 : vector<128xf32>
    %swap3A_55 = arith.constant 1 : index
    %swap3A_56 = arith.constant 0 : index
    %swap3A_57 = vector.load %arg8[%swap3A_55, %swap3A_56] : memref<8x128xf32, #tpu.memory_space<vmem>>, vector<1x128xf32>
    %swap3A_58 = vector.shape_cast %swap3A_57 : vector<1x128xf32> to vector<128xf32>
    %swap3A_59 = vector.shape_cast %add3A_54 : vector<128xf32> to vector<1x128xf32>
    tpu.vector_store %arg8[%swap3A_55, %swap3A_56], %swap3A_59 {strides = array<i32>} : memref<8x128xf32, #tpu.memory_space<vmem>>, vector<1x128xf32>,
    return
  }
  func.func @transform_0(%arg0: i32) -> (i32, i32) {
    %c0_i32 = arith.constant 0 : i32
    %c0_i32_0 = arith.constant 0 : i32
    return %arg0, %c0_i32 : i32, i32
  }
  func.func @transform_1(%arg0: i32) -> (i32, i32, i32) {
    %c0_i32 = arith.constant 0 : i32
    %c0_i32_0 = arith.constant 0 : i32
    %c0_i32_1 = arith.constant 0 : i32
    return %c0_i32, %arg0, %c0_i32_0 : i32, i32, i32
  }
  func.func @transform_2(%arg0: i32) -> (i32, i32) {
    %c0_i32 = arith.constant 0 : i32
    %c0_i32_0 = arith.constant 0 : i32
    %c0_i32_1 = arith.constant 0 : i32
    return %c0_i32, %c0_i32_0 : i32, i32
  }
  func.func @transform_3(%arg0: i32) -> i32 {
    %c0_i32 = arith.constant 0 : i32
    %c0_i32_0 = arith.constant 0 : i32
    return %c0_i32 : i32
  }
  func.func @transform_4(%arg0: i32) -> (i32, i32) {
    %c0_i32 = arith.constant 0 : i32
    %c0_i32_0 = arith.constant 0 : i32
    %c0_i32_1 = arith.constant 0 : i32
    return %c0_i32, %c0_i32_0 : i32, i32
  }
  func.func @transform_5(%arg0: i32) -> i32 {
    %c0_i32 = arith.constant 0 : i32
    %c0_i32_0 = arith.constant 0 : i32
    return %c0_i32 : i32
  }
  func.func @transform_6(%arg0: i32) -> (i32, i32) {
    %c0_i32 = arith.constant 0 : i32
    %c0_i32_0 = arith.constant 0 : i32
    return %arg0, %c0_i32 : i32, i32
  }
  func.func @transform_7(%arg0: i32) -> (i32, i32) {
    %c0_i32 = arith.constant 0 : i32
    %c0_i32_0 = arith.constant 0 : i32
    %c0_i32_1 = arith.constant 0 : i32
    return %c0_i32, %c0_i32_0 : i32, i32
  }
}

</mosaic_0001>

<sc_bundles>
// kernel: kernel.5.cloned.1.call-start
scs
__scs_entry_jumppad:
0x0: {  	(pc) =	sbr.rel $0x88, $3  }
0x1: {  	(tag) =	ssettag $0x0;
	lr =	simm.s32 $0x1  }
0x2: {  	[smem:$0x3F99] =	sst lr;
	_ =	strace $0xD0000000  }
0x3: {  	_ = 	snop  }
0x4: {  	_ = 	snop  }
0x5: {  	_ = 	snop  }
0x6: {  	_ = 	snop  }
0x7: {  	_ = 	snop  }
__scs_overlays_trampoline_lowered:
0x8: {  	[smem:$0x3FA8] =	sst s0  }
0x9: {  	[smem:$0x3FA9] =	sst s1  }
0xa: {  	[smem:$0x3FAA] =	sst s2  }
0xb: {  	[smem:$0x3FAB] =	sst s3  }
0xc: {  	[smem:$0x3FAC] =	sst s4  }
0xd: {  	[smem:$0x3FAD] =	sst s5  }
0xe: {  	[smem:$0x3FAE] =	sst s6  }
0xf: {  	[smem:$0x3FAF] =	sst s7  }
0x10: {  	[smem:$0x3FB0] =	sst s8  }
0x11: {  	[smem:$0x3FB1] =	sst s9;
	s0 =	simm.s32 @!p0 $0x0  }
0x12: {  	s1 =	sld [smem:$0x3F97];
	s0 =	simm.s32 @p0 $0x1  }
0x13: {  	[smem:$0x3FB2] =	sst s0;
	s0 =	simm.s32 @!p1 $0x0  }
0x14: {  	s2 =	sld [smem:$0x3F96];
	s0 =	simm.s32 @p1 $0x1  }
0x15: {  	[smem:$0x3FB3] =	sst s0;
	s0 =	simm.s32 @!p2 $0x0  }
0x16: {  	s3 =	sld [smem:$0x3FDB];
	s0 =	simm.s32 @p2 $0x1  }
0x17: {  	s4 =	simm.s32 $0x1BF5;
	[smem:$0x3FB5] =	sst s0  }
0x18: {  	s0 =	sld [smem:$0x3F98];
	_ =	swait.ge [sflag:s4], $0x0  }
0x19: {  	s7 =	sld [smem:$0x3F99]  }
0x1a: {  	s8 =	sadd.s32 $0xFFFFE003, lr  }
0x1b: {  	s9 =	sadd.s32 $0xFFFFFEF7, lr;
	s5 =	simm.s32 $0xFFFFFFFF;
	p2 =	slt.u32 s8, $0xFFFFF086  }
0x1c: {  	p1 =	slt.u32 s9, $0xF7A;
	s5 =	simm.s32 @!p2 $0x0  }
0x1d: {  	s5 =	simm.s32 @p1 $0x1;
	p0 =	seq.s32 s7, s2  }
0x1e: {  	s7 =	smul.u32 @!p0 $0xF7A, s2;
	p2 =	seq.s32 @!p0 s5, $0x0  }
0x1f: {  	s9 =	smul.u32 $0xF7A, s1;
	s8 =	simm.s32 @!p0 $0x1BF5;
	p2 =	por !p2, p0  }
0x20: {  	[sflag:s8] =	ssyncset.s32 @!p0 $0xFFFFF086;
	s6 =	sadd.s32 @!p0 s3, s7;
	s7 =	simm.s32 @!p0 $0x108  }
0x21: {  	s3 =	sadd.s32 s3, s9;
	s6 =	sadd.s32 @!p0 $0x88, s6;
	s7 =	simm.s32 @p2 $0x1082  }
0x22: {  	[simem:s7], [sflag:s8] =	dma.local @!p0 [hbm:s6], $0xF7A  }
0x23: {  	s9 =	sor.u32 $0xD0000000, s2;
	s6 =	simm.s32 $0x108;
	_ =	swait.ge @!p0 [sflag:s8], $0x0  }
0x24: {  	s3 =	sadd.s32 $0x88, s3;
	s6 =	simm.s32 @!p1 $0x1082;
	[sflag:s4] =	ssyncset.s32 $0xFFFFF086  }
0x25: {  	[simem:s6], [sflag:s4] =	dma.local [hbm:s3], $0xF7A  }
0x26: {  	[smem:$0x3F99] =	sst s1;
	(tag) =	ssettag s2;
	_ =	strace s9  }
0x27: {  	s1 =	sld [smem:$0x3FA9]  }
0x28: {  	s2 =	sld [smem:$0x3FAA]  }
0x29: {  	s4 =	sld [smem:$0x3FAC]  }
0x2a: {  	p0 =	seq.s32 s5, $0x0;
	s5 =	sld [smem:$0x3FAD]  }
0x2b: {  	s6 =	sld [smem:$0x3FAE]  }
0x2c: {  	s7 =	sld [smem:$0x3FAF]  }
0x2d: {  	s3 =	simm.s32 $0x108;
	s8 =	sld [smem:$0x3FB0]  }
0x2e: {  	s3 =	simm.s32 @!p0 $0x1082;
	s9 =	sld [smem:$0x3FB1]  }
0x2f: {  	lr =	sadd.s32 s0, s3;
	s0 =	sld [smem:$0x3FA8]  }
0x30: {  	s3 =	sld [smem:$0x3FAB]  }
0x31: {  	[smem:$0x3FB4] =	sst s10  }
0x32: {  	s10 =	sld [smem:$0x3FB2];
	_ =	sdelay $0x3  }
0x33: {  	p0 =	seq.s32 s10, $0x1;
	s10 =	sld [smem:$0x3FB4];
	_ =	sdelay $0x3  }
0x34: {  	[smem:$0x3FB4] =	sst s10  }
0x35: {  	s10 =	sld [smem:$0x3FB3];
	_ =	sdelay $0x3  }
0x36: {  	p1 =	seq.s32 s10, $0x1;
	s10 =	sld [smem:$0x3FB4];
	_ =	sdelay $0x3  }
0x37: {  	[smem:$0x3FB4] =	sst s10  }
0x38: {  	s10 =	sld [smem:$0x3FB5]  }
0x39: {  	_ = 	snop;
	(pc) =	sbr.ind lr, $3  }
0x3a: {  	_ = 	snop  }
0x3b: {  	_ = 	snop  }
0x3c: {  	p2 =	seq.s32 s10, $0x1;
	s10 =	sld [smem:$0x3FB4]  }
0x3d: {  	_ =	shalt  }
0x3e: {  	_ =	shalt  }
0x3f: {  	_ =	shalt  }
0x40: {  	_ =	shalt  }
0x41: {  	_ =	shalt  }
0x42: {  	_ =	shalt  }
0x43: {  	_ =	shalt  }
0x44: {  	_ =	shalt  }
0x45: {  	_ =	shalt  }
0x46: {  	_ =	shalt  }
0x47: {  	_ =	shalt  }
0x48: {  	_ =	shalt  }
0x49: {  	_ =	shalt  }
0x4a: {  	_ =	shalt  }
0x4b: {  	_ =	shalt  }
0x4c: {  	_ =	shalt  }
0x4d: {  	_ =	shalt  }
0x4e: {  	_ =	shalt  }
0x4f: {  	_ =	shalt  }
0x50: {  	_ =	shalt  }
0x51: {  	_ =	shalt  }
0x52: {  	_ =	shalt  }
0x53: {  	_ =	shalt  }
0x54: {  	_ =	shalt  }
0x55: {  	_ =	shalt  }
0x56: {  	_ =	shalt  }
0x57: {  	_ =	shalt  }
0x58: {  	_ =	shalt  }
0x59: {  	_ =	shalt  }
0x5a: {  	_ =	shalt  }
0x5b: {  	_ =	shalt  }
0x5c: {  	_ =	shalt  }
0x5d: {  	_ =	shalt  }
0x5e: {  	_ =	shalt  }
0x5f: {  	_ =	shalt  }
0x60: {  	_ =	shalt  }
0x61: {  	_ =	shalt  }
0x62: {  	_ =	shalt  }
0x63: {  	_ =	shalt  }
0x64: {  	_ =	shalt  }
0x65: {  	_ =	shalt  }
0x66: {  	_ =	shalt  }
0x67: {  	_ =	shalt  }
0x68: {  	_ =	shalt  }
0x69: {  	_ =	shalt  }
0x6a: {  	_ =	shalt  }
0x6b: {  	_ =	shalt  }
0x6c: {  	_ =	shalt  }
0x6d: {  	_ =	shalt  }
0x6e: {  	_ =	shalt  }
0x6f: {  	_ =	shalt  }
0x70: {  	_ =	shalt  }
0x71: {  	_ =	shalt  }
0x72: {  	_ =	shalt  }
0x73: {  	_ =	shalt  }
0x74: {  	_ =	shalt  }
0x75: {  	_ =	shalt  }
0x76: {  	_ =	shalt  }
0x77: {  	_ =	shalt  }
0x78: {  	_ =	shalt  }
0x79: {  	_ =	shalt  }
0x7a: {  	_ =	shalt  }
0x7b: {  	_ =	shalt  }
0x7c: {  	_ =	shalt  }
0x7d: {  	_ =	shalt  }
0x7e: {  	_ =	shalt  }
0x7f: {  	_ =	shalt  }
0x80: {  	_ =	shalt  }
0x81: {  	_ =	shalt  }
0x82: {  	_ =	shalt  }
0x83: {  	_ =	shalt  }
0x84: {  	_ =	shalt  }
0x85: {  	_ =	shalt  }
0x86: {  	_ =	shalt  }
0x87: {  	_ =	shalt  }
.Lfunc_end0:
.L_simem_size_0:
called_computation_lowered:
.L_overlay_start_0:
0x88: {  	s2 =	sld [smem:$0x3FD9]  }
0x89: {  	s3 =	sld [smem:$0x3FFE];
	_ =	sdelay $0x1  }
0x8a: {  	s1 =	srdreg.scid  }
0x8b: {  	s0 =	sand.u32 $0x1, s1  }
0x8c: {  	s17 =	sshll.u32 s0, $0xA;
	s2 =	sadd.s32 s3, s2  }
0x8d: {  	s2 =	sadd.s32 s2, s17  }
0x8e: {  	[smem:$0x3FC0] =	sst s2  }
0x8f: {  	_ = 	snop  }
0x90: {  	s2 =	sld [smem:$0x3FC9]  }
0x91: {  	s18 =	sld [smem:$0x3FD0];
	(tm) =	ssettm $0x1  }
0x92: {  	s4 =	sld [smem:$0x3FFB];
	_ =	sdelay $0x3  }
0x93: {  	_ =	strace s4  }
0x94: {  	s4 =	sld [smem:$0x3FFC];
	_ =	sdelay $0x3  }
0x95: {  	_ =	strace s4  }
0x96: {  	s4 =	sld [smem:$0x3FFD];
	_ =	sdelay $0x3  }
0x97: {  	_ =	strace s4  }
0x98: {  	_ =	strace $0x8FFFFFFF  }
0x99: {  	s19 =	sld [smem:$0x3FDB];
	_ =	sdelay $0x1  }
0x9a: {  	s5 =	simm.s32 $_scs_section_size  }
0x9b: {  	s6 =	simm.s32 $_size__tile_overlayer_lowered;
	s7 =	simm.s32 $_tile_overlayer_lowered  }
0x9c: {  	s22 =	simm.s32 $0x1BFF;
	s21 =	sshll.u32 s7, $0x1;
	s4 =	sadd.s32 s5, s19  }
0x9d: {  	s8 =	simm.s32 $0x0;
	s20 =	sshll.u32 s6, $0x1;
	s6 =	sadd.s32 s21, s4  }
0x9e: {  	[timem:s8], [sflag:s22] =	dma.local [hbm:s6], s20  }
0x9f: {  	_ =	swait.ge [sflag:s22], s20  }
0xa0: {  	s5 =	ssub.s32 $0x0, s20;
	[sflag:s22] =	ssyncset.done $0x0  }
0xa1: {  	[sflag:s22] =	ssyncadd.s32 s5;
	_ =	sdelay $0x1  }
0xa2: {  	s23 =	simm.s32 $0x1B8B  }
0xa3: {  	_ =	swait.ge [sflag:s23], $0x1  }
0xa4: {  	[sflag:s23] =	ssyncset.done $0x0  }
0xa5: {  	s25 =	simm.s32 $0x1B8E;
	s24 =	sld [smem:$0x3FFE];
	[sflag:s23] =	ssyncadd.s32 $0xFFFFFFFF  }
0xa6: {  	s26 =	simm.s32 $execute0_lowered;
	[smem:$0x3FD2] =	sst s25  }
0xa7: {  	s6 =	sshll.u32 s26, $0x1;
	_ =	strace $0x80000046;
	[dreg:$0x1] =	wrdreg $0xFFFFFFFF  }
0xa8: {  	s28 =	simm.s32 $_size_execute0_lowered;
	s4 =	sadd.s32 s4, s6;
	[dreg:$0x0] =	wrdreg $0x0  }
0xa9: {  	s6 =	sshll.u32 s28, $0x1;
	[dreg:$0x2] =	wrdreg s4  }
0xaa: {  	[dreg:$0x3] =	wrdreg s6  }
0xab: {  	[dreg:$0x4] =	wrdreg $0xC0  }
0xac: {  	_ =	task [dreg:s8], $0x5FFFF  }
0xad: {  	[dreg:$0x1] =	wrdreg $0xFFFFFFFF  }
0xae: {  	[dreg:$0x0] =	wrdreg $0x60  }
0xaf: {  	[dreg:$0x2] =	wrdreg s2  }
0xb0: {  	[dreg:$0x3] =	wrdreg s24  }
0xb1: {  	[dreg:$0x4] =	wrdreg s18  }
0xb2: {  	[dreg:$0x5] =	wrdreg $0xB3000  }
0xb3: {  	[dreg:$0x6] =	wrdreg $0x9  }
0xb4: {  	_ =	task.clear_ibuf [dreg:s8], $0x7FFFF;
	_ =	strace $0x90000046  }
0xb5: {  	s29 =	simm.s32 $0x9;
	_ =	strace $0x80000048  }
0xb6: {  	_ =	swait.ge [sflag:s29], $0x1  }
0xb7: {  	[sflag:s29] =	ssyncadd.s32 $0xFFFFFFFF  }
0xb8: {  	_ =	strace $0x90000048  }
0xb9: {  	_ =	sfence  }
0xba: {  	s30 =	sld [smem:$0x0];
	_ =	sdelay $0x2  }
0xbb: {  	s31 =	sshll.u32 s1, $0xD;
	s1 =	sshrl.u32 s1, $0x2  }
0xbc: {  	s3 =	sand.u32 $0x4000, s31;
	s1 =	sadd.s32 s1, s30  }
0xbd: {  	s0 =	sor.u32 s3, s0;
	s1 =	sshll.u32 s1, $0x11  }
0xbe: {  	s0 =	sor.u32 s1, s0  }
0xbf: {  	s0 =	sadd.s32 $0x8F2B, s0  }
0xc0: {  	[sflag:s0] =	ssyncadd.remote.s32 $0x1  }
0xc1: {  	_ =	sfence.sel $0xFFFF  }
0xc2: {  	[dreg:$0x0] =	wrdreg $0xFFFFFFFF;
	(pc) =	sbr.abs _section_cstart, $3  }
0xc3: {  	[dreg:$0x1] =	wrdreg $0xFFFFFFFF  }
0xc4: {  	_ =	task.clear_ibuf [dreg:s8], $0x2FFFF;
	_ =	strace $0x9FFFFFFF  }
0xc5: {  	(tm) =	ssettm $0x7FFFFFFF  }
tec
execute0_lowered:
.L_overlay_start_1:
0x0: {  	(tag) =	ssettag $0x1  }
0x1: {  	s1 =	rddreg [dreg:$0x0];
	s0 =	srdreg.scid  }
0x2: {  	s12 =	stileid.u32;
	s2 =	rddreg [dreg:$0x1]  }
0x3: {  	s8 =	rddreg [dreg:$0x2];
	s13 =	simm.s32 $0x28;
	s17 =	simm.s32 $0x7700  }
0x4: {  	s18 =	simm.s32 $0x78;
	s19 =	simm.s32 $0x8B00;
	s20 =	simm.s32 $0x6  }
0x5: {  	s21 =	simm.s32 $0x7;
	s22 =	simm.s32 $0x8;
	s23 =	simm.s32 $0x9  }
0x6: {  	s24 =	simm.s32 $0xA;
	s25 =	simm.s32 $0x0;
	s5 =	smul.u32 $0x14000, s12  }
0x7: {  	s0 =	sand.u32 $0x1, s0;
	s3 =	sshll.u32 s12, $0x1;
	s29 =	smul.u32 $0x50000, s12  }
0x8: {  	s31 =	sshll.u32 s12, $0x6;
	s12 =	simm.s32 $0xB;
	s4 =	sor.u32 s0, s3  }
0x9: {  	s3 =	rddreg [dreg:$0x3];
	s6 =	smul.u32 $0x140000, s0;
	s0 =	ssub.s32 $0x2, s0  }
0xa: {  	s9 =	smul.u32 $0x4E2, s4;
	s4 =	simm.s32 $0x0;
	s10 =	sshrl.u32 s5, $0x3  }
0xb: {  	s30 =	sshrl.u32 s0, $0x1;
	[smem:$0x7FF] =	sst s4;
	s5 =	sadd.s32 s5, s6  }
0xc: {  	s10 =	sadd.s32 s10, s2;
	s6 =	sshrl.u32 s29, $0x2;
	s0 =	ssub.s32 s0, s30  }
0xd: {  	_ =	strace $0x80000047;
	s7 =	sadd.s32 s9, s2;
	s5 =	sshrl.u32 s5, $0x3  }
0xe: {  	s11 =	sadd.s32 s6, s3;
	s6 =	sor.u32 $0x1C0B, s31;
	s8 =	sadd.s32 s8, s9  }
0xf: {  	s2 =	sadd.s32 s5, s2;
	s5 =	sadd.s32 $0xB200, s10;
	s7 =	sadd.s32 $0x1400, s7  }
0x10: {  	s10 =	smax.u32 s0, $0x1;
	s11 =	sshrl.u32 s11, $0x3;
	s9 =	sadd.s32 $0x33200, s2  }
.LBB2_1:
0x11: {  	[spmem:s11], [sflag:s6] =	dma.local [hbm:s5], $0x2800  }
0x12: {  	_ =	swait.ge [sflag:s12], $0x2800  }
0x13: {  	[sflag:s12] =	ssyncset.done $0x0  }
0x14: {  	[sflag:s12] =	ssyncadd.s32 $0xFFFFD800  }
0x15: {  	[tilespmem:s4], [sflag:$0xB] =	stream.linear.gather [hbm4b:s7+s4], $0x2710, $0x38;
	[tilespmem:$0x1F300] =	vst v63  }
0x16: {  	_ =	swait.ge [sflag:s12], $0x2710  }
0x17: {  	[sflag:s12] =	ssyncset.done $0x0  }
0x18: {  	s28 =	simm.s32 $0x2780;
	[sflag:s12] =	ssyncadd.s32 $0xFFFFD8F0  }
0x19: {  	[tilespmem:s28], [sflag:$0xB] =	stream.linear.gather [hbm4b:s8+s4], $0x2710, $0x38;
	[tilespmem:$0x1F300] =	vst v63  }
0x1a: {  	_ =	swait.ge [sflag:s12], $0x2710  }
0x1b: {  	[sflag:s12] =	ssyncset.done $0x0  }
0x1c: {  	[sflag:s12] =	ssyncadd.s32 $0xFFFFD8F0  }
0x1d: {  	s0 =	simm.s32 $0x4F00;
	s14 =	simm.s32 $0x4;
	[bflag:$0x0] =	sbarrier.arrive $0xFFFF  }
0x1e: {  	[tilespmem:s0], [sflag:$0x1] =	stream.indirect.gather [hbm4b:s1+s13], $0x80, s4, s13, $0xb8;
	[tilespmem:$0x1F300] =	vst v63  }
0x1f: {  	s26 =	simm.s32 $0x6300;
	s0 =	sand.u32 $0xFF, s14  }
0x20: {  	[tilespmem:s26], [sflag:$0x2] =	stream.indirect.gather [hbm4b:s1+s13], $0x80, s13, s13, $0xb8;
	[tilespmem:$0x1F300] =	vst v63  }
0x21: {  	s2 =	simm.s32 $0x50;
	s0 =	smul.u32 $0xCD, s0  }
0x22: {  	[tilespmem:s17], [sflag:$0x3] =	stream.indirect.gather [hbm4b:s1+s13], $0x80, s2, s13, $0xb8;
	[tilespmem:$0x1F300] =	vst v63  }
0x23: {  	s0 =	sshrl.u32 s0, $0xA;
	s2 =	smul.u32 $0xCD, s4  }
0x24: {  	s31 =	simm.s32 $0x2;
	p0 =	por $0x0, $0x0;
	s0 =	smul.u32 $0x5, s0  }
0x25: {  	[tilespmem:s19], [sflag:$0x4] =	stream.indirect.gather [hbm4b:s1+s13], $0x80, s18, s13, $0xb8;
	[tilespmem:$0x1F300] =	vst v63  }
0x26: {  	p1 =	por @!p0 $0x1, $0x1;
	s15 =	simm.s32 @!p0 $0x28;
	s2 =	sshrl.u32 s2, $0xA  }
0x27: {  	p1 =	por p1, p0;
	s0 =	ssub.s32 $0x4, s0;
	s2 =	sand.u32 $0x3F, s2  }
0x28: {  	s14 =	simm.s32 $0xA0;
	s0 =	sand.u32 $0xFF, s0;
	s2 =	smul.u32 $0x5, s2  }
0x29: {  	s26 =	simm.s32 $0x1;
	s29 =	sadd.s32 @!p1 $0x6, s0;
	s30 =	smul.u32 @!p0 $0x5000, s0  }
0x2a: {  	s0 =	sadd.s32 @!p0 $0x1, s0;
	_ =	swait.ge @!p1 [sflag:s29], $0x1400;
	s2 =	ssub.s32 $0x0, s2  }
0x2b: {  	[sflag:s29] =	ssyncset.done @!p1 $0x0;
	s30 =	sshrl.u32 @!p0 s30, $0x2;
	s2 =	sand.u32 $0xFF, s2  }
0x2c: {  	[sflag:s29] =	ssyncadd.s32 @!p1 $0xFFFFEC00;
	s29 =	sadd.s32 @!p0 $0x4F00, s30;
	s16 =	sadd.s32 $0x1, s2  }
0x2d: {  	[tilespmem:s29], [sflag:s0] =	stream.indirect.gather @!p0 [hbm4b:s1+s15], $0x80, s14, s15, $0xb8;
	[tilespmem:$0x1F300] =	vst v63  }
0x2e: {  	s30 =	simm.s32 $0xC8;
	s15 =	smul.u32 $0x5000, s2;
	_ =	swait.ge [sflag:s16], $0x1400  }
0x2f: {  	s0 =	sadd.s32 $0x6, s2;
	s29 =	simm.s32 $0x27A8;
	[sflag:s16] =	ssyncset.done $0x0  }
0x30: {  	s2 =	simm.s32 $0x5;
	s14 =	sshrl.u32 s15, $0x2;
	[sflag:s16] =	ssyncadd.s32 $0xFFFFEC00  }
.LBB2_2:
0x31: {  	s15 =	sand.u32 $0xFF, s2;
	s14 =	sadd.s32 $0x4F00, s14  }
0x32: {  	s16 =	smov.u32 s26;
	s26 =	smov.u32 s31;
	s31 =	sadd.s32 $0x1, s31  }
0x33: {  	p0 =	sne.s32 s31, $0xFA;
	s15 =	smul.u32 $0xCD, s15  }
0x34: {  	[spmem:s3] =	stream.indirect.scatter.add.f32 [tilespmem:s14], [sflag:s0], $0x80, s28, s13, $0xb8;
	[tilespmem:$0x1F300] =	vst v63  }
0x35: {  	s0 =	smul.u32 $0xCD, s16;
	s28 =	smov.u32 s29;
	s14 =	sshrl.u32 s15, $0xA  }
0x36: {  	s14 =	smul.u32 $0x5, s14  }
0x37: {  	p1 =	sgt.u32 s16, $0xF5;
	s0 =	sshrl.u32 s0, $0xA  }
0x38: {  	p2 =	seq.s32 @!p1 s16, $0x0;
	s0 =	sand.u32 $0x3F, s0;
	s2 =	ssub.s32 s2, s14  }
0x39: {  	p2 =	por p2, p1;
	s0 =	smul.u32 $0x5, s0;
	s2 =	sand.u32 $0xFF, s2  }
0x3a: {  	s14 =	sadd.s32 @!p2 $0x6, s2;
	s15 =	smul.u32 @!p1 $0x5000, s2;
	s2 =	sadd.s32 @!p1 $0x1, s2  }
0x3b: {  	s0 =	ssub.s32 s16, s0;
	s16 =	simm.s32 @!p1 $0x28;
	_ =	swait.ge @!p2 [sflag:s14], $0x1400  }
0x3c: {  	s0 =	sand.u32 $0xFF, s0;
	[sflag:s14] =	ssyncset.done @!p2 $0x0;
	s15 =	sshrl.u32 @!p1 s15, $0x2  }
0x3d: {  	[sflag:s14] =	ssyncadd.s32 @!p2 $0xFFFFEC00  }
.Ltmp0:
0x3e: {  	s14 =	sadd.s32 @!p1 $0x4F00, s15;
	s15 =	sadd.s32 $0x1, s0;
	(pc) =	sbr.rel @p0 .LBB2_2-.Ltmp0, $4  }
0x3f: {  	[tilespmem:s14], [sflag:s2] =	stream.indirect.gather @!p1 [hbm4b:s1+s16], $0x80, s30, s16, $0xb8;
	[tilespmem:$0x1F300] =	vst v63  }
0x40: {  	s14 =	smul.u32 $0x5000, s0;
	s0 =	sadd.s32 $0x6, s0;
	_ =	swait.ge [sflag:s15], $0x1400  }
0x41: {  	s29 =	sadd.s32 $0x28, s29;
	s30 =	sadd.s32 $0x28, s30;
	[sflag:s15] =	ssyncset.done $0x0  }
0x42: {  	s2 =	sadd.s32 $0x4, s26;
	s14 =	sshrl.u32 s14, $0x2;
	[sflag:s15] =	ssyncadd.s32 $0xFFFFEC00  }
0x43: {  	s15 =	sand.u32 $0xFF, s2  }
0x44: {  	s14 =	sadd.s32 $0x4F00, s14;
	s15 =	smul.u32 $0xCD, s15  }
0x45: {  	[spmem:s3] =	stream.indirect.scatter.add.f32 [tilespmem:s14], [sflag:s0], $0x80, s28, s13, $0xb8;
	[tilespmem:$0x1F300] =	vst v63  }
0x46: {  	s31 =	smul.u32 $0xCD, s26;
	s15 =	sshrl.u32 s15, $0xA  }
0x47: {  	s14 =	smul.u32 $0x5, s15  }
0x48: {  	p0 =	sgt.u32 s26, $0xF5;
	s0 =	sshrl.u32 s31, $0xA  }
0x49: {  	p1 =	seq.s32 @!p0 s26, $0x0;
	s0 =	sand.u32 $0x3F, s0;
	s16 =	ssub.s32 s2, s14  }
0x4a: {  	p1 =	por p1, p0;
	s0 =	smul.u32 $0x5, s0;
	s2 =	sand.u32 $0xFF, s16  }
0x4b: {  	s14 =	sadd.s32 @!p1 $0x6, s2;
	s15 =	smul.u32 @!p0 $0x5000, s2  }
0x4c: {  	s0 =	ssub.s32 s26, s0;
	s16 =	simm.s32 @!p0 $0x28;
	_ =	swait.ge @!p1 [sflag:s14], $0x1400  }
0x4d: {  	s0 =	sand.u32 $0xFF, s0;
	[sflag:s14] =	ssyncset.done @!p1 $0x0;
	s15 =	sshrl.u32 @!p0 s15, $0x2  }
0x4e: {  	s2 =	sadd.s32 @!p0 $0x1, s2;
	[sflag:s14] =	ssyncadd.s32 @!p1 $0xFFFFEC00;
	s14 =	sadd.s32 @!p0 $0x4F00, s15  }
0x4f: {  	[tilespmem:s14], [sflag:s2] =	stream.indirect.gather @!p0 [hbm4b:s1+s16], $0x80, s30, s16, $0xb8;
	[tilespmem:$0x1F300] =	vst v63  }
0x50: {  	s28 =	sadd.s32 $0x1, s0;
	s30 =	smul.u32 $0x5000, s0  }
0x51: {  	_ =	swait.ge [sflag:s28], $0x1400  }
0x52: {  	[sflag:s28] =	ssyncset.done $0x0;
	s14 =	sshrl.u32 s30, $0x2  }
0x53: {  	s0 =	sadd.s32 $0x6, s0;
	[sflag:s28] =	ssyncadd.s32 $0xFFFFEC00;
	s31 =	sadd.s32 $0x4F00, s14  }
0x54: {  	[spmem:s3] =	stream.indirect.scatter.add.f32 [tilespmem:s31], [sflag:s0], $0x80, s29, s13, $0xb8;
	[tilespmem:$0x1F300] =	vst v63  }
0x55: {  	_ =	swait.ge [sflag:s20], $0x1400  }
0x56: {  	[sflag:s20] =	ssyncset.done $0x0  }
0x57: {  	[sflag:s20] =	ssyncadd.s32 $0xFFFFEC00  }
0x58: {  	_ =	swait.ge [sflag:s21], $0x1400  }
0x59: {  	[sflag:s21] =	ssyncset.done $0x0  }
0x5a: {  	[sflag:s21] =	ssyncadd.s32 $0xFFFFEC00  }
0x5b: {  	_ =	swait.ge [sflag:s22], $0x1400  }
0x5c: {  	[sflag:s22] =	ssyncset.done $0x0  }
0x5d: {  	[sflag:s22] =	ssyncadd.s32 $0xFFFFEC00  }
0x5e: {  	_ =	swait.ge [sflag:s23], $0x1400  }
0x5f: {  	[sflag:s23] =	ssyncset.done $0x0  }
0x60: {  	[sflag:s23] =	ssyncadd.s32 $0xFFFFEC00  }
0x61: {  	_ =	swait.ge [sflag:s24], $0x1400  }
0x62: {  	s25 =	sadd.s32 $0x1, s25;
	[sflag:s24] =	ssyncset.done $0x0  }
0x63: {  	p0 =	sne.s32 s25, s10;
	[sflag:s24] =	ssyncadd.s32 $0xFFFFEC00  }
.Ltmp1:
0x64: {  	[bflag:$0x0] =	sbarrier.arrive $0xFFFF;
	(pc) =	sbr.rel @p0 .LBB2_1-.Ltmp1, $4  }
0x65: {  	[hbm:s9], [sflag:s6] =	dma.local [spmem:s11], $0x2800  }
0x66: {  	_ =	swait.ge [sflag:s12], $0x2800  }
0x67: {  	[sflag:s12] =	ssyncset.done $0x0  }
0x68: {  	[sflag:s12] =	ssyncadd.s32 $0xFFFFD800  }
0x69: {  	_ =	sfence.sel $0x180000  }
0x6a: {  	[bflag:$0x0] =	sbarrier.arrive $0xFFFF  }
0x6b: {  	_ =	strace $0x90000047  }
0x6c: {  	s0 =	stileid.u32;
	[bflag:$0x2] =	sbarrier.arrive $0xFFFF  }
0x6d: {  	p0 =	sne.s32 s0, $0x0;
	s0 =	rddreg [dreg:$0x4]  }
0x6e: {  	s0 =	sadd.s32 @!p0 $0x100000, s0  }
0x6f: {  	[sflag:s0] =	ssyncadd.tile.s32 @!p0 $0x1;
	_ =	shalt  }
.Lfunc_end2:
_tile_overlayer_lowered:
.L_overlay_start_2:
0x70: {  	(tag) =	ssettag $0x2  }
0x71: {  	s0 =	rddreg [dreg:$0x0];
	s2 =	stileid.u32  }
0x72: {  	s1 =	rddreg [dreg:$0x1];
	p0 =	sne.s32 s2, $0x0  }
0x73: {  	s3 =	rddreg [dreg:$0x2];
	[bflag:$0x3] =	sbarrier.arrive $0xFFFF;
	s2 =	simm.s32 @!p0 $0x1C0B  }
0x74: {  	[timem:s3], [sflag:s2] =	dma.local @!p0 [hbm:s0], s1  }
0x75: {  	s0 =	simm.s32 @!p0 $0xB  }
0x76: {  	_ =	swait.ge @!p0 [sflag:s0], s1  }
0x77: {  	s1 =	ssub.s32 @!p0 $0x0, s1;
	[sflag:s0] =	ssyncset.done @!p0 $0x0  }
0x78: {  	[sflag:s0] =	ssyncadd.s32 @!p0 s1  }
0x79: {  	[bflag:$0x3] =	sbarrier.arrive $0xFFFF  }
0x7a: {  	_ =	shalt  }

</sc_bundles>
